<compile_context>
chip_gen: v7x
topology: tpu7x:2x2x1
jax: 0.10.2.dev20260603
libtpu: 0.0.44.dev20260713+nightly
codegen_flags: <defaults>
</compile_context>

<pallas_src>
import functools

import jax
import jax.numpy as jnp
from jax import lax
from jax.experimental import pallas as pl
from jax.experimental.pallas import tpu as pltpu
from jax.experimental.pallas import tpu_sc as plsc

_NC = 2
_NS = 16
_NW = _NC * _NS
_L = 16
_ZR = 64
_BATCH = 80


@functools.lru_cache(maxsize=None)
def _build_unpool(N: int, M: int, d: int):
    Mpad = ((M + _L - 1) // _L) * _L
    n_vec_m = Mpad // _L

    assert N % 8 == 0
    units = N // 8
    u_lo = units // _NW
    n_hi = units - _NW * u_lo
    k_lo = u_lo * 8
    k_hi = k_lo + (8 if n_hi else 0)
    nb = (max(k_hi, 1) + _BATCH - 1) // _BATCH
    max_base = (_NW - 1) * k_lo + n_hi * 8
    Npad = ((max_base + nb * _BATCH + _L - 1) // _L) * _L

    mesh = plsc.VectorSubcoreMesh(core_axis_name="c", subcore_axis_name="s")

    @functools.partial(
        pl.kernel,
        out_type=jax.ShapeDtypeStruct((N, d), jnp.float32),
        mesh=mesh,
        compiler_params=pltpu.CompilerParams(needs_layout_passes=False),
        scratch_types=[
            pltpu.VMEM((Mpad,), jnp.int32),
            pltpu.VMEM((Npad,), jnp.int32),
            pltpu.VMEM((_BATCH,), jnp.int32),
            pltpu.VMEM((_BATCH, d), jnp.float32),
            pltpu.SemaphoreType.DMA,
        ],
    )
    def unpool(x_ext_hbm, idx_hbm, out_hbm, idx_v, perm_v, sel_v, rows_v, sem):
        wid = lax.axis_index("s") * _NC + lax.axis_index("c")
        lane = jnp.arange(_L, dtype=jnp.int32)

        if Mpad > M:
            idx_v[pl.ds(Mpad - _L, _L)] = jnp.zeros((_L,), jnp.int32)
        pltpu.sync_copy(idx_hbm, idx_v.at[pl.ds(0, M)])

        neg1 = jnp.full((_L,), -1, jnp.int32)

        def init_body(k, _):
            perm_v[pl.ds(k * _L, _L)] = neg1
            return 0

        lax.fori_loop(0, Npad // _L, init_body, 0, unroll=4)

        def scat_body(k, _):
            base = k * _L
            iv = idx_v[pl.ds(base, _L)]
            vv = base + lane
            valid = vv < M
            for l in range(_L):
                plsc.store_scatter(
                    perm_v, [iv], vv, mask=(lane == l) & valid
                )
            return 0

        lax.fori_loop(0, n_vec_m, scat_body, 0)

        def emit(base2, cnt):
            for g in range(nb):
                gb = base2 + g * _BATCH
                for j in range(_BATCH // _L):
                    rs = gb + j * _L
                    p = perm_v[pl.ds(rs, _L)]
                    nz = M + ((rs + lane) & (_ZR - 1))
                    sel_v[pl.ds(j * _L, _L)] = jnp.where(p >= 0, p, nz)
                pltpu.async_copy(x_ext_hbm.at[sel_v], rows_v, sem).wait()
                sz = min(_BATCH, cnt - g * _BATCH)
                if sz <= 0:
                    continue
                pltpu.sync_copy(
                    rows_v.at[pl.ds(0, sz)], out_hbm.at[pl.ds(gb, sz)]
                )

        @pl.when(wid < n_hi)
        def _():
            emit(wid * k_hi, k_hi)

        @pl.when(wid >= n_hi)
        def _():
            emit(wid * k_lo + n_hi * 8, k_lo)

    return unpool


def kernel(A, X, idx):
    N = A.shape[0]
    M, d = X.shape
    idx32 = idx.astype(jnp.int32)
    x_ext = jnp.concatenate([X, jnp.zeros((_ZR, d), X.dtype)], axis=0)
    new_x = _build_unpool(N, M, d)(x_ext, idx32)
    return (A, new_x)

# --- scband reference (transcript-rebuilt; emitter-appended) ---
"""Pipeline reference for scband-graph-unpool-34385508172060 (READ-ONLY COPY).

The authoritative reference and input builder live on the scoring server;
editing this copy changes nothing except your own understanding.
"""

import jax, jax.numpy as jnp
import numpy as np


def setup_inputs(seed: int = 0) -> dict:
    key = jax.random.key(seed)
    kA, kX, kI = jax.random.split(key, 3)
    N = 10000
    M = 5000
    d = 256
    A = jax.random.normal(kA, (N, N), dtype=jnp.float32)
    X = jax.random.normal(kX, (M, d), dtype=jnp.float32)
    idx = jax.random.randint(kI, (M,), 0, N, dtype=jnp.int64)
    return {"A": A, "X": X, "idx": idx}


def reference(A, X, idx):
    # new_X = torch.zeros([A.shape[0], X.shape[1]]); new_X[idx] = X
    new_X = jnp.zeros((A.shape[0], X.shape[1]), dtype=X.dtype)
    new_X = new_X.at[idx].set(X)
    return (A, new_X)

if __name__ == "__main__":
    import jax
    _d = setup_inputs()
    print(jax.jit(kernel)(*tuple(_d.values())))

</pallas_src>

<mosaic_0001>
#map = affine_map<(d0, d1) -> (0, 0)>
#map1 = affine_map<(d0, d1) -> (0)>
module attributes {stable_mosaic.version = 14 : i64} {
  func.func @unpool(%arg0: i32, %arg1: i32, %arg2: memref<5064x256xf32, #tpu.memory_space<hbm>>, %arg3: memref<5000xi32, #tpu.memory_space<hbm>>, %arg4: memref<10000x256xf32, #tpu.memory_space<hbm>>, %arg5: memref<5008xi32, #tpu.memory_space<vmem>>, %arg6: memref<10016xi32, #tpu.memory_space<vmem>>, %arg7: memref<80xi32, #tpu.memory_space<vmem>>, %arg8: memref<80x256xf32, #tpu.memory_space<vmem>>, %arg9: memref<!tpu.dma_semaphore, #tpu.memory_space<semaphore_mem>>) attributes {dimension_semantics = [#tpu.dimension_semantics<core_parallel>, #tpu.dimension_semantics<subcore_parallel>], iteration_bounds = array<i64: 2, 16>, scalar_prefetch = 0 : i64, scratch_operands = 5 : i64, tpu.core_type = #tpu.core_type<sc_vector_subcore>, window_params = [{transform_indices = #map}, {transform_indices = #map1}, {transform_indices = #map}]} {
    %mul3A = arith.constant 2 : i32
    %mul3A_0 = arith.muli %arg1, %mul3A : i32
    %add3A = arith.addi %mul3A_0, %arg0 : i32
    %iota3A = tpu.iota {dimensions = array<i32: 0>} : vector<16xi32>
    %broadcast_in_dim3A = arith.constant 0 : i32
    %broadcast_in_dim3A_1 = vector.broadcast %broadcast_in_dim3A : i32 to vector<16xi32>
    %swap3A = arith.constant 4992 : index
    %swap3A_2 = tpu.vector_load %arg5[%swap3A] {strides = array<i32>} : memref<5008xi32, #tpu.memory_space<vmem>>, vector<16xi32>,
    tpu.vector_store %arg5[%swap3A], %broadcast_in_dim3A_1 {strides = array<i32>} : memref<5008xi32, #tpu.memory_space<vmem>>, vector<16xi32>,
    "tpu.region"() ({
      %run_scoped3A = tpu.sem_alloc : memref<!tpu.dma_semaphore, #tpu.memory_space<semaphore_mem>>
      %dma_start3A = arith.constant 0 : i32
      %dma_start3A_38 = tpu.memref_slice %arg5[%dma_start3A] : memref<5008xi32, #tpu.memory_space<vmem>> -> memref<5000xi32, #tpu.memory_space<vmem>>
      %dma_start3A_39 = arith.constant 0 : i32
      %dma_start3A_40 = tpu.memref_slice %arg5[%dma_start3A_39] : memref<5008xi32, #tpu.memory_space<vmem>> -> memref<5000xi32, #tpu.memory_space<vmem>>
      tpu.enqueue_dma source(%arg3 : memref<5000xi32, #tpu.memory_space<hbm>>) target(%dma_start3A_40 : memref<5000xi32, #tpu.memory_space<vmem>>) target_semaphore(%run_scoped3A : memref<!tpu.dma_semaphore, #tpu.memory_space<semaphore_mem>>)
      %dma_wait3A = arith.constant 0 : i32
      %dma_wait3A_41 = tpu.memref_slice %arg5[%dma_wait3A] : memref<5008xi32, #tpu.memory_space<vmem>> -> memref<5000xi32, #tpu.memory_space<vmem>>
      %dma_wait3A_42 = arith.constant 0 : i32
      %dma_wait3A_43 = tpu.memref_slice %arg5[%dma_wait3A_42] : memref<5008xi32, #tpu.memory_space<vmem>> -> memref<5000xi32, #tpu.memory_space<vmem>>
      tpu.wait_dma2 semaphore(%run_scoped3A : memref<!tpu.dma_semaphore, #tpu.memory_space<semaphore_mem>>) src(%arg3 : memref<5000xi32, #tpu.memory_space<hbm>>) dst(%dma_wait3A_43 : memref<5000xi32, #tpu.memory_space<vmem>>)
      tpu.yield
    }) : () -> ()
    %broadcast_in_dim3A_3 = arith.constant -1 : i32
    %broadcast_in_dim3A_4 = vector.broadcast %broadcast_in_dim3A_3 : i32 to vector<16xi32>
    %scan3A = arith.constant 0 : i32
    %scan3A_5 = arith.constant 0 : i32
    %scan3A_6 = arith.constant 624 : i32
    %scan3A_7 = arith.addi %scan3A_5, %scan3A_6 : i32
    %scan3A_8 = arith.constant 4 : i32
    %scan3A_9 = scf.for %scan3A_38 = %scan3A_5 to %scan3A_7 step %scan3A_8 iter_args(%scan3A_39 = %scan3A) -> (i32)  : i32 {
      %mul3A_40 = arith.constant 16 : i32
      %mul3A_41 = arith.muli %scan3A_38, %mul3A_40 : i32
      %swap3A_42 = arith.index_cast %mul3A_41 : i32 to index
      %swap3A_43 = tpu.vector_load %arg6[%swap3A_42] {strides = array<i32>} : memref<10016xi32, #tpu.memory_space<vmem>>, vector<16xi32>,
      tpu.vector_store %arg6[%swap3A_42], %broadcast_in_dim3A_4 {strides = array<i32>} : memref<10016xi32, #tpu.memory_space<vmem>>, vector<16xi32>,
      %scan3A_44 = arith.constant 0 : i32
      %scan3A_45 = arith.constant 1 : i32
      %scan3A_46 = arith.addi %scan3A_38, %scan3A_45 : i32
      %mul3A_47 = arith.constant 16 : i32
      %mul3A_48 = arith.muli %scan3A_46, %mul3A_47 : i32
      %swap3A_49 = arith.index_cast %mul3A_48 : i32 to index
      %swap3A_50 = tpu.vector_load %arg6[%swap3A_49] {strides = array<i32>} : memref<10016xi32, #tpu.memory_space<vmem>>, vector<16xi32>,
      tpu.vector_store %arg6[%swap3A_49], %broadcast_in_dim3A_4 {strides = array<i32>} : memref<10016xi32, #tpu.memory_space<vmem>>, vector<16xi32>,
      %scan3A_51 = arith.constant 0 : i32
      %scan3A_52 = arith.constant 2 : i32
      %scan3A_53 = arith.addi %scan3A_38, %scan3A_52 : i32
      %mul3A_54 = arith.constant 16 : i32
      %mul3A_55 = arith.muli %scan3A_53, %mul3A_54 : i32
      %swap3A_56 = arith.index_cast %mul3A_55 : i32 to index
      %swap3A_57 = tpu.vector_load %arg6[%swap3A_56] {strides = array<i32>} : memref<10016xi32, #tpu.memory_space<vmem>>, vector<16xi32>,
      tpu.vector_store %arg6[%swap3A_56], %broadcast_in_dim3A_4 {strides = array<i32>} : memref<10016xi32, #tpu.memory_space<vmem>>, vector<16xi32>,
      %scan3A_58 = arith.constant 0 : i32
      %scan3A_59 = arith.constant 3 : i32
      %scan3A_60 = arith.addi %scan3A_38, %scan3A_59 : i32
      %mul3A_61 = arith.constant 16 : i32
      %mul3A_62 = arith.muli %scan3A_60, %mul3A_61 : i32
      %swap3A_63 = arith.index_cast %mul3A_62 : i32 to index
      %swap3A_64 = tpu.vector_load %arg6[%swap3A_63] {strides = array<i32>} : memref<10016xi32, #tpu.memory_space<vmem>>, vector<16xi32>,
      tpu.vector_store %arg6[%swap3A_63], %broadcast_in_dim3A_4 {strides = array<i32>} : memref<10016xi32, #tpu.memory_space<vmem>>, vector<16xi32>,
      %scan3A_65 = arith.constant 0 : i32
      scf.yield %scan3A_65 : i32
    }
    %scan3A_10 = arith.constant 624 : i32
    %scan3A_11 = arith.addi %scan3A_5, %scan3A_10 : i32
    %mul3A_12 = arith.constant 16 : i32
    %mul3A_13 = arith.muli %scan3A_11, %mul3A_12 : i32
    %swap3A_14 = arith.index_cast %mul3A_13 : i32 to index
    %swap3A_15 = tpu.vector_load %arg6[%swap3A_14] {strides = array<i32>} : memref<10016xi32, #tpu.memory_space<vmem>>, vector<16xi32>,
    tpu.vector_store %arg6[%swap3A_14], %broadcast_in_dim3A_4 {strides = array<i32>} : memref<10016xi32, #tpu.memory_space<vmem>>, vector<16xi32>,
    %scan3A_16 = arith.constant 0 : i32
    %scan3A_17 = arith.constant 625 : i32
    %scan3A_18 = arith.addi %scan3A_5, %scan3A_17 : i32
    %mul3A_19 = arith.constant 16 : i32
    %mul3A_20 = arith.muli %scan3A_18, %mul3A_19 : i32
    %swap3A_21 = arith.index_cast %mul3A_20 : i32 to index
    %swap3A_22 = tpu.vector_load %arg6[%swap3A_21] {strides = array<i32>} : memref<10016xi32, #tpu.memory_space<vmem>>, vector<16xi32>,
    tpu.vector_store %arg6[%swap3A_21], %broadcast_in_dim3A_4 {strides = array<i32>} : memref<10016xi32, #tpu.memory_space<vmem>>, vector<16xi32>,
    %scan3A_23 = arith.constant 0 : i32
    %scan3A_24 = arith.constant 626 : i32
    %scan3A_25 = arith.constant 0 : i32
    %scan3A_26 = arith.constant 0 : i32
    %scan3A_27 = arith.constant 313 : i32
    %scan3A_28 = arith.addi %scan3A_26, %scan3A_27 : i32
    %scan3A_29 = arith.constant 1 : i32
    %scan3A_30 = scf.for %scan3A_38 = %scan3A_26 to %scan3A_28 step %scan3A_29 iter_args(%scan3A_39 = %scan3A_25) -> (i32)  : i32 {
      %mul3A_40 = arith.constant 16 : i32
      %mul3A_41 = arith.muli %scan3A_38, %mul3A_40 : i32
      %get3A = arith.index_cast %mul3A_41 : i32 to index
      %get3A_42 = tpu.vector_load %arg5[%get3A] {strides = array<i32>} : memref<5008xi32, #tpu.memory_space<vmem>>, vector<16xi32>,
      %add3A_43 = vector.broadcast %mul3A_41 : i32 to vector<16xi32>
      %add3A_44 = arith.addi %add3A_43, %iota3A : vector<16xi32>
      %lt3A_45 = arith.constant 5000 : i32
      %lt3A_46 = vector.broadcast %lt3A_45 : i32 to vector<16xi32>
      %lt3A_47 = arith.cmpi slt, %add3A_44, %lt3A_46 : vector<16xi32>
      %eq3A = arith.constant 0 : i32
      %eq3A_48 = vector.broadcast %eq3A : i32 to vector<16xi32>
      %eq3A_49 = arith.cmpi eq, %iota3A, %eq3A_48 : vector<16xi32>
      %and3A = arith.andi %eq3A_49, %lt3A_47 : vector<16xi1>
      tpu.vector_store_idx %arg6[%get3A_42], %add3A_44 masked %and3A : memref<10016xi32, #tpu.memory_space<vmem>>[vector<16xi32>], vector<16xi32>, vector<16xi1>
      %eq3A_50 = arith.constant 1 : i32
      %eq3A_51 = vector.broadcast %eq3A_50 : i32 to vector<16xi32>
      %eq3A_52 = arith.cmpi eq, %iota3A, %eq3A_51 : vector<16xi32>
      %and3A_53 = arith.andi %eq3A_52, %lt3A_47 : vector<16xi1>
      tpu.vector_store_idx %arg6[%get3A_42], %add3A_44 masked %and3A_53 : memref<10016xi32, #tpu.memory_space<vmem>>[vector<16xi32>], vector<16xi32>, vector<16xi1>
      %eq3A_54 = arith.constant 2 : i32
      %eq3A_55 = vector.broadcast %eq3A_54 : i32 to vector<16xi32>
      %eq3A_56 = arith.cmpi eq, %iota3A, %eq3A_55 : vector<16xi32>
      %and3A_57 = arith.andi %eq3A_56, %lt3A_47 : vector<16xi1>
      tpu.vector_store_idx %arg6[%get3A_42], %add3A_44 masked %and3A_57 : memref<10016xi32, #tpu.memory_space<vmem>>[vector<16xi32>], vector<16xi32>, vector<16xi1>
      %eq3A_58 = arith.constant 3 : i32
      %eq3A_59 = vector.broadcast %eq3A_58 : i32 to vector<16xi32>
      %eq3A_60 = arith.cmpi eq, %iota3A, %eq3A_59 : vector<16xi32>
      %and3A_61 = arith.andi %eq3A_60, %lt3A_47 : vector<16xi1>
      tpu.vector_store_idx %arg6[%get3A_42], %add3A_44 masked %and3A_61 : memref<10016xi32, #tpu.memory_space<vmem>>[vector<16xi32>], vector<16xi32>, vector<16xi1>
      %eq3A_62 = arith.constant 4 : i32
      %eq3A_63 = vector.broadcast %eq3A_62 : i32 to vector<16xi32>
      %eq3A_64 = arith.cmpi eq, %iota3A, %eq3A_63 : vector<16xi32>
      %and3A_65 = arith.andi %eq3A_64, %lt3A_47 : vector<16xi1>
      tpu.vector_store_idx %arg6[%get3A_42], %add3A_44 masked %and3A_65 : memref<10016xi32, #tpu.memory_space<vmem>>[vector<16xi32>], vector<16xi32>, vector<16xi1>
      %eq3A_66 = arith.constant 5 : i32
      %eq3A_67 = vector.broadcast %eq3A_66 : i32 to vector<16xi32>
      %eq3A_68 = arith.cmpi eq, %iota3A, %eq3A_67 : vector<16xi32>
      %and3A_69 = arith.andi %eq3A_68, %lt3A_47 : vector<16xi1>
      tpu.vector_store_idx %arg6[%get3A_42], %add3A_44 masked %and3A_69 : memref<10016xi32, #tpu.memory_space<vmem>>[vector<16xi32>], vector<16xi32>, vector<16xi1>
      %eq3A_70 = arith.constant 6 : i32
      %eq3A_71 = vector.broadcast %eq3A_70 : i32 to vector<16xi32>
      %eq3A_72 = arith.cmpi eq, %iota3A, %eq3A_71 : vector<16xi32>
      %and3A_73 = arith.andi %eq3A_72, %lt3A_47 : vector<16xi1>
      tpu.vector_store_idx %arg6[%get3A_42], %add3A_44 masked %and3A_73 : memref<10016xi32, #tpu.memory_space<vmem>>[vector<16xi32>], vector<16xi32>, vector<16xi1>
      %eq3A_74 = arith.constant 7 : i32
      %eq3A_75 = vector.broadcast %eq3A_74 : i32 to vector<16xi32>
      %eq3A_76 = arith.cmpi eq, %iota3A, %eq3A_75 : vector<16xi32>
      %and3A_77 = arith.andi %eq3A_76, %lt3A_47 : vector<16xi1>
      tpu.vector_store_idx %arg6[%get3A_42], %add3A_44 masked %and3A_77 : memref<10016xi32, #tpu.memory_space<vmem>>[vector<16xi32>], vector<16xi32>, vector<16xi1>
      %eq3A_78 = arith.constant 8 : i32
      %eq3A_79 = vector.broadcast %eq3A_78 : i32 to vector<16xi32>
      %eq3A_80 = arith.cmpi eq, %iota3A, %eq3A_79 : vector<16xi32>
      %and3A_81 = arith.andi %eq3A_80, %lt3A_47 : vector<16xi1>
      tpu.vector_store_idx %arg6[%get3A_42], %add3A_44 masked %and3A_81 : memref<10016xi32, #tpu.memory_space<vmem>>[vector<16xi32>], vector<16xi32>, vector<16xi1>
      %eq3A_82 = arith.constant 9 : i32
      %eq3A_83 = vector.broadcast %eq3A_82 : i32 to vector<16xi32>
      %eq3A_84 = arith.cmpi eq, %iota3A, %eq3A_83 : vector<16xi32>
      %and3A_85 = arith.andi %eq3A_84, %lt3A_47 : vector<16xi1>
      tpu.vector_store_idx %arg6[%get3A_42], %add3A_44 masked %and3A_85 : memref<10016xi32, #tpu.memory_space<vmem>>[vector<16xi32>], vector<16xi32>, vector<16xi1>
      %eq3A_86 = arith.constant 10 : i32
      %eq3A_87 = vector.broadcast %eq3A_86 : i32 to vector<16xi32>
      %eq3A_88 = arith.cmpi eq, %iota3A, %eq3A_87 : vector<16xi32>
      %and3A_89 = arith.andi %eq3A_88, %lt3A_47 : vector<16xi1>
      tpu.vector_store_idx %arg6[%get3A_42], %add3A_44 masked %and3A_89 : memref<10016xi32, #tpu.memory_space<vmem>>[vector<16xi32>], vector<16xi32>, vector<16xi1>
      %eq3A_90 = arith.constant 11 : i32
      %eq3A_91 = vector.broadcast %eq3A_90 : i32 to vector<16xi32>
      %eq3A_92 = arith.cmpi eq, %iota3A, %eq3A_91 : vector<16xi32>
      %and3A_93 = arith.andi %eq3A_92, %lt3A_47 : vector<16xi1>
      tpu.vector_store_idx %arg6[%get3A_42], %add3A_44 masked %and3A_93 : memref<10016xi32, #tpu.memory_space<vmem>>[vector<16xi32>], vector<16xi32>, vector<16xi1>
      %eq3A_94 = arith.constant 12 : i32
      %eq3A_95 = vector.broadcast %eq3A_94 : i32 to vector<16xi32>
      %eq3A_96 = arith.cmpi eq, %iota3A, %eq3A_95 : vector<16xi32>
      %and3A_97 = arith.andi %eq3A_96, %lt3A_47 : vector<16xi1>
      tpu.vector_store_idx %arg6[%get3A_42], %add3A_44 masked %and3A_97 : memref<10016xi32, #tpu.memory_space<vmem>>[vector<16xi32>], vector<16xi32>, vector<16xi1>
      %eq3A_98 = arith.constant 13 : i32
      %eq3A_99 = vector.broadcast %eq3A_98 : i32 to vector<16xi32>
      %eq3A_100 = arith.cmpi eq, %iota3A, %eq3A_99 : vector<16xi32>
      %and3A_101 = arith.andi %eq3A_100, %lt3A_47 : vector<16xi1>
      tpu.vector_store_idx %arg6[%get3A_42], %add3A_44 masked %and3A_101 : memref<10016xi32, #tpu.memory_space<vmem>>[vector<16xi32>], vector<16xi32>, vector<16xi1>
      %eq3A_102 = arith.constant 14 : i32
      %eq3A_103 = vector.broadcast %eq3A_102 : i32 to vector<16xi32>
      %eq3A_104 = arith.cmpi eq, %iota3A, %eq3A_103 : vector<16xi32>
      %and3A_105 = arith.andi %eq3A_104, %lt3A_47 : vector<16xi1>
      tpu.vector_store_idx %arg6[%get3A_42], %add3A_44 masked %and3A_105 : memref<10016xi32, #tpu.memory_space<vmem>>[vector<16xi32>], vector<16xi32>, vector<16xi1>
      %eq3A_106 = arith.constant 15 : i32
      %eq3A_107 = vector.broadcast %eq3A_106 : i32 to vector<16xi32>
      %eq3A_108 = arith.cmpi eq, %iota3A, %eq3A_107 : vector<16xi32>
      %and3A_109 = arith.andi %eq3A_108, %lt3A_47 : vector<16xi1>
      tpu.vector_store_idx %arg6[%get3A_42], %add3A_44 masked %and3A_109 : memref<10016xi32, #tpu.memory_space<vmem>>[vector<16xi32>], vector<16xi32>, vector<16xi1>
      %scan3A_110 = arith.constant 0 : i32
      scf.yield %scan3A_110 : i32
    }
    %scan3A_31 = arith.constant 313 : i32
    %lt3A = arith.constant 2 : i32
    %lt3A_32 = arith.cmpi slt, %add3A, %lt3A : i32
    %convert_element_type3A = arith.extui %lt3A_32 : i1 to i32
    %cond3A = arith.constant 0 : i32
    %cond3A_33 = arith.cmpi ne, %convert_element_type3A, %cond3A : i32
    scf.if %cond3A_33 {
      %mul3A_38 = arith.constant 320 : i32
      %mul3A_39 = arith.muli %add3A, %mul3A_38 : i32
      %add3A_40 = arith.constant 0 : i32
      %add3A_41 = arith.addi %mul3A_39, %add3A_40 : i32
      %add3A_42 = arith.constant 0 : i32
      %add3A_43 = arith.addi %add3A_41, %add3A_42 : i32
      %get3A = arith.index_cast %add3A_43 : i32 to index
      %get3A_44 = tpu.vector_load %arg6[%get3A] {strides = array<i32>} : memref<10016xi32, #tpu.memory_space<vmem>>, vector<16xi32>,
      %add3A_45 = vector.broadcast %add3A_43 : i32 to vector<16xi32>
      %add3A_46 = arith.addi %add3A_45, %iota3A : vector<16xi32>
      %and3A = arith.constant 63 : i32
      %and3A_47 = vector.broadcast %and3A : i32 to vector<16xi32>
      %and3A_48 = arith.andi %add3A_46, %and3A_47 : vector<16xi32>
      %add3A_49 = arith.constant 5000 : i32
      %add3A_50 = vector.broadcast %add3A_49 : i32 to vector<16xi32>
      %add3A_51 = arith.addi %add3A_50, %and3A_48 : vector<16xi32>
      %ge3A_52 = arith.constant 0 : i32
      %ge3A_53 = vector.broadcast %ge3A_52 : i32 to vector<16xi32>
      %ge3A_54 = arith.cmpi sge, %get3A_44, %ge3A_53 : vector<16xi32>
      %select_n3A = arith.select %ge3A_54, %get3A_44, %add3A_51 : vector<16xi1>, vector<16xi32>
      %swap3A_55 = arith.constant 0 : index
      %swap3A_56 = tpu.vector_load %arg7[%swap3A_55] {strides = array<i32>} : memref<80xi32, #tpu.memory_space<vmem>>, vector<16xi32>,
      tpu.vector_store %arg7[%swap3A_55], %select_n3A {strides = array<i32>} : memref<80xi32, #tpu.memory_space<vmem>>, vector<16xi32>,
      %add3A_57 = arith.constant 16 : i32
      %add3A_58 = arith.addi %add3A_41, %add3A_57 : i32
      %get3A_59 = arith.index_cast %add3A_58 : i32 to index
      %get3A_60 = tpu.vector_load %arg6[%get3A_59] {strides = array<i32>} : memref<10016xi32, #tpu.memory_space<vmem>>, vector<16xi32>,
      %add3A_61 = vector.broadcast %add3A_58 : i32 to vector<16xi32>
      %add3A_62 = arith.addi %add3A_61, %iota3A : vector<16xi32>
      %and3A_63 = arith.constant 63 : i32
      %and3A_64 = vector.broadcast %and3A_63 : i32 to vector<16xi32>
      %and3A_65 = arith.andi %add3A_62, %and3A_64 : vector<16xi32>
      %add3A_66 = arith.constant 5000 : i32
      %add3A_67 = vector.broadcast %add3A_66 : i32 to vector<16xi32>
      %add3A_68 = arith.addi %add3A_67, %and3A_65 : vector<16xi32>
      %ge3A_69 = arith.constant 0 : i32
      %ge3A_70 = vector.broadcast %ge3A_69 : i32 to vector<16xi32>
      %ge3A_71 = arith.cmpi sge, %get3A_60, %ge3A_70 : vector<16xi32>
      %select_n3A_72 = arith.select %ge3A_71, %get3A_60, %add3A_68 : vector<16xi1>, vector<16xi32>
      %swap3A_73 = arith.constant 16 : index
      %swap3A_74 = tpu.vector_load %arg7[%swap3A_73] {strides = array<i32>} : memref<80xi32, #tpu.memory_space<vmem>>, vector<16xi32>,
      tpu.vector_store %arg7[%swap3A_73], %select_n3A_72 {strides = array<i32>} : memref<80xi32, #tpu.memory_space<vmem>>, vector<16xi32>,
      %add3A_75 = arith.constant 32 : i32
      %add3A_76 = arith.addi %add3A_41, %add3A_75 : i32
      %get3A_77 = arith.index_cast %add3A_76 : i32 to index
      %get3A_78 = tpu.vector_load %arg6[%get3A_77] {strides = array<i32>} : memref<10016xi32, #tpu.memory_space<vmem>>, vector<16xi32>,
      %add3A_79 = vector.broadcast %add3A_76 : i32 to vector<16xi32>
      %add3A_80 = arith.addi %add3A_79, %iota3A : vector<16xi32>
      %and3A_81 = arith.constant 63 : i32
      %and3A_82 = vector.broadcast %and3A_81 : i32 to vector<16xi32>
      %and3A_83 = arith.andi %add3A_80, %and3A_82 : vector<16xi32>
      %add3A_84 = arith.constant 5000 : i32
      %add3A_85 = vector.broadcast %add3A_84 : i32 to vector<16xi32>
      %add3A_86 = arith.addi %add3A_85, %and3A_83 : vector<16xi32>
      %ge3A_87 = arith.constant 0 : i32
      %ge3A_88 = vector.broadcast %ge3A_87 : i32 to vector<16xi32>
      %ge3A_89 = arith.cmpi sge, %get3A_78, %ge3A_88 : vector<16xi32>
      %select_n3A_90 = arith.select %ge3A_89, %get3A_78, %add3A_86 : vector<16xi1>, vector<16xi32>
      %swap3A_91 = arith.constant 32 : index
      %swap3A_92 = tpu.vector_load %arg7[%swap3A_91] {strides = array<i32>} : memref<80xi32, #tpu.memory_space<vmem>>, vector<16xi32>,
      tpu.vector_store %arg7[%swap3A_91], %select_n3A_90 {strides = array<i32>} : memref<80xi32, #tpu.memory_space<vmem>>, vector<16xi32>,
      %add3A_93 = arith.constant 48 : i32
      %add3A_94 = arith.addi %add3A_41, %add3A_93 : i32
      %get3A_95 = arith.index_cast %add3A_94 : i32 to index
      %get3A_96 = tpu.vector_load %arg6[%get3A_95] {strides = array<i32>} : memref<10016xi32, #tpu.memory_space<vmem>>, vector<16xi32>,
      %add3A_97 = vector.broadcast %add3A_94 : i32 to vector<16xi32>
      %add3A_98 = arith.addi %add3A_97, %iota3A : vector<16xi32>
      %and3A_99 = arith.constant 63 : i32
      %and3A_100 = vector.broadcast %and3A_99 : i32 to vector<16xi32>
      %and3A_101 = arith.andi %add3A_98, %and3A_100 : vector<16xi32>
      %add3A_102 = arith.constant 5000 : i32
      %add3A_103 = vector.broadcast %add3A_102 : i32 to vector<16xi32>
      %add3A_104 = arith.addi %add3A_103, %and3A_101 : vector<16xi32>
      %ge3A_105 = arith.constant 0 : i32
      %ge3A_106 = vector.broadcast %ge3A_105 : i32 to vector<16xi32>
      %ge3A_107 = arith.cmpi sge, %get3A_96, %ge3A_106 : vector<16xi32>
      %select_n3A_108 = arith.select %ge3A_107, %get3A_96, %add3A_104 : vector<16xi1>, vector<16xi32>
      %swap3A_109 = arith.constant 48 : index
      %swap3A_110 = tpu.vector_load %arg7[%swap3A_109] {strides = array<i32>} : memref<80xi32, #tpu.memory_space<vmem>>, vector<16xi32>,
      tpu.vector_store %arg7[%swap3A_109], %select_n3A_108 {strides = array<i32>} : memref<80xi32, #tpu.memory_space<vmem>>, vector<16xi32>,
      %add3A_111 = arith.constant 64 : i32
      %add3A_112 = arith.addi %add3A_41, %add3A_111 : i32
      %get3A_113 = arith.index_cast %add3A_112 : i32 to index
      %get3A_114 = tpu.vector_load %arg6[%get3A_113] {strides = array<i32>} : memref<10016xi32, #tpu.memory_space<vmem>>, vector<16xi32>,
      %add3A_115 = vector.broadcast %add3A_112 : i32 to vector<16xi32>
      %add3A_116 = arith.addi %add3A_115, %iota3A : vector<16xi32>
      %and3A_117 = arith.constant 63 : i32
      %and3A_118 = vector.broadcast %and3A_117 : i32 to vector<16xi32>
      %and3A_119 = arith.andi %add3A_116, %and3A_118 : vector<16xi32>
      %add3A_120 = arith.constant 5000 : i32
      %add3A_121 = vector.broadcast %add3A_120 : i32 to vector<16xi32>
      %add3A_122 = arith.addi %add3A_121, %and3A_119 : vector<16xi32>
      %ge3A_123 = arith.constant 0 : i32
      %ge3A_124 = vector.broadcast %ge3A_123 : i32 to vector<16xi32>
      %ge3A_125 = arith.cmpi sge, %get3A_114, %ge3A_124 : vector<16xi32>
      %select_n3A_126 = arith.select %ge3A_125, %get3A_114, %add3A_122 : vector<16xi1>, vector<16xi32>
      %swap3A_127 = arith.constant 64 : index
      %swap3A_128 = tpu.vector_load %arg7[%swap3A_127] {strides = array<i32>} : memref<80xi32, #tpu.memory_space<vmem>>, vector<16xi32>,
      tpu.vector_store %arg7[%swap3A_127], %select_n3A_126 {strides = array<i32>} : memref<80xi32, #tpu.memory_space<vmem>>, vector<16xi32>,
      %dma_start3A = arith.constant 0 : i32
      %dma_start3A_129 = arith.constant 0 : i32
      %dma_start3A_130 = tpu.memref_slice %arg2[%dma_start3A, %dma_start3A_129] : memref<5064x256xf32, #tpu.memory_space<hbm>> -> memref<5064x256xf32, #tpu.memory_space<hbm>>
      tpu.enqueue_indirect_dma source(%dma_start3A_130 : memref<5064x256xf32, #tpu.memory_space<hbm>>) target(%arg8 : memref<80x256xf32, #tpu.memory_space<vmem>>) offsets(%arg7 : memref<80xi32, #tpu.memory_space<vmem>>) semaphore(%arg9 : memref<!tpu.dma_semaphore, #tpu.memory_space<semaphore_mem>>)
      %dma_wait3A = arith.constant 0 : i32
      %dma_wait3A_131 = arith.constant 0 : i32
      %dma_wait3A_132 = tpu.memref_slice %arg2[%dma_wait3A, %dma_wait3A_131] : memref<5064x256xf32, #tpu.memory_space<hbm>> -> memref<5064x256xf32, #tpu.memory_space<hbm>>
      tpu.wait_indirect_dma semaphore(%arg9 : memref<!tpu.dma_semaphore, #tpu.memory_space<semaphore_mem>>) src(%dma_wait3A_132 : memref<5064x256xf32, #tpu.memory_space<hbm>>) dst(%arg8 : memref<80x256xf32, #tpu.memory_space<vmem>>)
      "tpu.region"() ({
        %run_scoped3A = tpu.sem_alloc : memref<!tpu.dma_semaphore, #tpu.memory_space<semaphore_mem>>
        %dma_start3A_427 = arith.constant 0 : i32
        %dma_start3A_428 = arith.constant 0 : i32
        %dma_start3A_429 = tpu.memref_slice %arg8[%dma_start3A_427, %dma_start3A_428] : memref<80x256xf32, #tpu.memory_space<vmem>> -> memref<80x256xf32, #tpu.memory_space<vmem>>
        %dma_start3A_430 = arith.constant 0 : i32
        %dma_start3A_431 = tpu.memref_slice %arg4[%add3A_41, %dma_start3A_430] : memref<10000x256xf32, #tpu.memory_space<hbm>> -> memref<80x256xf32, #tpu.memory_space<hbm>>
        %dma_start3A_432 = arith.constant 0 : i32
        %dma_start3A_433 = tpu.memref_slice %arg4[%add3A_41, %dma_start3A_432] : memref<10000x256xf32, #tpu.memory_space<hbm>> -> memref<80x256xf32, #tpu.memory_space<hbm>>
        %dma_start3A_434 = arith.constant 0 : i32
        %dma_start3A_435 = arith.constant 0 : i32
        %dma_start3A_436 = tpu.memref_slice %arg8[%dma_start3A_434, %dma_start3A_435] : memref<80x256xf32, #tpu.memory_space<vmem>> -> memref<80x256xf32, #tpu.memory_space<vmem>>
        tpu.enqueue_dma source(%dma_start3A_436 : memref<80x256xf32, #tpu.memory_space<vmem>>) target(%dma_start3A_433 : memref<80x256xf32, #tpu.memory_space<hbm>>) target_semaphore(%run_scoped3A : memref<!tpu.dma_semaphore, #tpu.memory_space<semaphore_mem>>)
        %dma_wait3A_437 = arith.constant 0 : i32
        %dma_wait3A_438 = arith.constant 0 : i32
        %dma_wait3A_439 = tpu.memref_slice %arg8[%dma_wait3A_437, %dma_wait3A_438] : memref<80x256xf32, #tpu.memory_space<vmem>> -> memref<80x256xf32, #tpu.memory_space<vmem>>
        %dma_wait3A_440 = arith.constant 0 : i32
        %dma_wait3A_441 = tpu.memref_slice %arg4[%add3A_41, %dma_wait3A_440] : memref<10000x256xf32, #tpu.memory_space<hbm>> -> memref<80x256xf32, #tpu.memory_space<hbm>>
        %dma_wait3A_442 = arith.constant 0 : i32
        %dma_wait3A_443 = tpu.memref_slice %arg4[%add3A_41, %dma_wait3A_442] : memref<10000x256xf32, #tpu.memory_space<hbm>> -> memref<80x256xf32, #tpu.memory_space<hbm>>
        %dma_wait3A_444 = arith.constant 0 : i32
        %dma_wait3A_445 = arith.constant 0 : i32
        %dma_wait3A_446 = tpu.memref_slice %arg8[%dma_wait3A_444, %dma_wait3A_445] : memref<80x256xf32, #tpu.memory_space<vmem>> -> memref<80x256xf32, #tpu.memory_space<vmem>>
        tpu.wait_dma2 semaphore(%run_scoped3A : memref<!tpu.dma_semaphore, #tpu.memory_space<semaphore_mem>>) src(%dma_wait3A_446 : memref<80x256xf32, #tpu.memory_space<vmem>>) dst(%dma_wait3A_443 : memref<80x256xf32, #tpu.memory_space<hbm>>)
        tpu.yield
      }) : () -> ()
      %add3A_133 = arith.constant 80 : i32
      %add3A_134 = arith.addi %mul3A_39, %add3A_133 : i32
      %add3A_135 = arith.constant 0 : i32
      %add3A_136 = arith.addi %add3A_134, %add3A_135 : i32
      %get3A_137 = arith.index_cast %add3A_136 : i32 to index
      %get3A_138 = tpu.vector_load %arg6[%get3A_137] {strides = array<i32>} : memref<10016xi32, #tpu.memory_space<vmem>>, vector<16xi32>,
      %add3A_139 = vector.broadcast %add3A_136 : i32 to vector<16xi32>
      %add3A_140 = arith.addi %add3A_139, %iota3A : vector<16xi32>
      %and3A_141 = arith.constant 63 : i32
      %and3A_142 = vector.broadcast %and3A_141 : i32 to vector<16xi32>
      %and3A_143 = arith.andi %add3A_140, %and3A_142 : vector<16xi32>
      %add3A_144 = arith.constant 5000 : i32
      %add3A_145 = vector.broadcast %add3A_144 : i32 to vector<16xi32>
      %add3A_146 = arith.addi %add3A_145, %and3A_143 : vector<16xi32>
      %ge3A_147 = arith.constant 0 : i32
      %ge3A_148 = vector.broadcast %ge3A_147 : i32 to vector<16xi32>
      %ge3A_149 = arith.cmpi sge, %get3A_138, %ge3A_148 : vector<16xi32>
      %select_n3A_150 = arith.select %ge3A_149, %get3A_138, %add3A_146 : vector<16xi1>, vector<16xi32>
      %swap3A_151 = arith.constant 0 : index
      %swap3A_152 = tpu.vector_load %arg7[%swap3A_151] {strides = array<i32>} : memref<80xi32, #tpu.memory_space<vmem>>, vector<16xi32>,
      tpu.vector_store %arg7[%swap3A_151], %select_n3A_150 {strides = array<i32>} : memref<80xi32, #tpu.memory_space<vmem>>, vector<16xi32>,
      %add3A_153 = arith.constant 16 : i32
      %add3A_154 = arith.addi %add3A_134, %add3A_153 : i32
      %get3A_155 = arith.index_cast %add3A_154 : i32 to index
      %get3A_156 = tpu.vector_load %arg6[%get3A_155] {strides = array<i32>} : memref<10016xi32, #tpu.memory_space<vmem>>, vector<16xi32>,
      %add3A_157 = vector.broadcast %add3A_154 : i32 to vector<16xi32>
      %add3A_158 = arith.addi %add3A_157, %iota3A : vector<16xi32>
      %and3A_159 = arith.constant 63 : i32
      %and3A_160 = vector.broadcast %and3A_159 : i32 to vector<16xi32>
      %and3A_161 = arith.andi %add3A_158, %and3A_160 : vector<16xi32>
      %add3A_162 = arith.constant 5000 : i32
      %add3A_163 = vector.broadcast %add3A_162 : i32 to vector<16xi32>
      %add3A_164 = arith.addi %add3A_163, %and3A_161 : vector<16xi32>
      %ge3A_165 = arith.constant 0 : i32
      %ge3A_166 = vector.broadcast %ge3A_165 : i32 to vector<16xi32>
      %ge3A_167 = arith.cmpi sge, %get3A_156, %ge3A_166 : vector<16xi32>
      %select_n3A_168 = arith.select %ge3A_167, %get3A_156, %add3A_164 : vector<16xi1>, vector<16xi32>
      %swap3A_169 = arith.constant 16 : index
      %swap3A_170 = tpu.vector_load %arg7[%swap3A_169] {strides = array<i32>} : memref<80xi32, #tpu.memory_space<vmem>>, vector<16xi32>,
      tpu.vector_store %arg7[%swap3A_169], %select_n3A_168 {strides = array<i32>} : memref<80xi32, #tpu.memory_space<vmem>>, vector<16xi32>,
      %add3A_171 = arith.constant 32 : i32
      %add3A_172 = arith.addi %add3A_134, %add3A_171 : i32
      %get3A_173 = arith.index_cast %add3A_172 : i32 to index
      %get3A_174 = tpu.vector_load %arg6[%get3A_173] {strides = array<i32>} : memref<10016xi32, #tpu.memory_space<vmem>>, vector<16xi32>,
      %add3A_175 = vector.broadcast %add3A_172 : i32 to vector<16xi32>
      %add3A_176 = arith.addi %add3A_175, %iota3A : vector<16xi32>
      %and3A_177 = arith.constant 63 : i32
      %and3A_178 = vector.broadcast %and3A_177 : i32 to vector<16xi32>
      %and3A_179 = arith.andi %add3A_176, %and3A_178 : vector<16xi32>
      %add3A_180 = arith.constant 5000 : i32
      %add3A_181 = vector.broadcast %add3A_180 : i32 to vector<16xi32>
      %add3A_182 = arith.addi %add3A_181, %and3A_179 : vector<16xi32>
      %ge3A_183 = arith.constant 0 : i32
      %ge3A_184 = vector.broadcast %ge3A_183 : i32 to vector<16xi32>
      %ge3A_185 = arith.cmpi sge, %get3A_174, %ge3A_184 : vector<16xi32>
      %select_n3A_186 = arith.select %ge3A_185, %get3A_174, %add3A_182 : vector<16xi1>, vector<16xi32>
      %swap3A_187 = arith.constant 32 : index
      %swap3A_188 = tpu.vector_load %arg7[%swap3A_187] {strides = array<i32>} : memref<80xi32, #tpu.memory_space<vmem>>, vector<16xi32>,
      tpu.vector_store %arg7[%swap3A_187], %select_n3A_186 {strides = array<i32>} : memref<80xi32, #tpu.memory_space<vmem>>, vector<16xi32>,
      %add3A_189 = arith.constant 48 : i32
      %add3A_190 = arith.addi %add3A_134, %add3A_189 : i32
      %get3A_191 = arith.index_cast %add3A_190 : i32 to index
      %get3A_192 = tpu.vector_load %arg6[%get3A_191] {strides = array<i32>} : memref<10016xi32, #tpu.memory_space<vmem>>, vector<16xi32>,
      %add3A_193 = vector.broadcast %add3A_190 : i32 to vector<16xi32>
      %add3A_194 = arith.addi %add3A_193, %iota3A : vector<16xi32>
      %and3A_195 = arith.constant 63 : i32
      %and3A_196 = vector.broadcast %and3A_195 : i32 to vector<16xi32>
      %and3A_197 = arith.andi %add3A_194, %and3A_196 : vector<16xi32>
      %add3A_198 = arith.constant 5000 : i32
      %add3A_199 = vector.broadcast %add3A_198 : i32 to vector<16xi32>
      %add3A_200 = arith.addi %add3A_199, %and3A_197 : vector<16xi32>
      %ge3A_201 = arith.constant 0 : i32
      %ge3A_202 = vector.broadcast %ge3A_201 : i32 to vector<16xi32>
      %ge3A_203 = arith.cmpi sge, %get3A_192, %ge3A_202 : vector<16xi32>
      %select_n3A_204 = arith.select %ge3A_203, %get3A_192, %add3A_200 : vector<16xi1>, vector<16xi32>
      %swap3A_205 = arith.constant 48 : index
      %swap3A_206 = tpu.vector_load %arg7[%swap3A_205] {strides = array<i32>} : memref<80xi32, #tpu.memory_space<vmem>>, vector<16xi32>,
      tpu.vector_store %arg7[%swap3A_205], %select_n3A_204 {strides = array<i32>} : memref<80xi32, #tpu.memory_space<vmem>>, vector<16xi32>,
      %add3A_207 = arith.constant 64 : i32
      %add3A_208 = arith.addi %add3A_134, %add3A_207 : i32
      %get3A_209 = arith.index_cast %add3A_208 : i32 to index
      %get3A_210 = tpu.vector_load %arg6[%get3A_209] {strides = array<i32>} : memref<10016xi32, #tpu.memory_space<vmem>>, vector<16xi32>,
      %add3A_211 = vector.broadcast %add3A_208 : i32 to vector<16xi32>
      %add3A_212 = arith.addi %add3A_211, %iota3A : vector<16xi32>
      %and3A_213 = arith.constant 63 : i32
      %and3A_214 = vector.broadcast %and3A_213 : i32 to vector<16xi32>
      %and3A_215 = arith.andi %add3A_212, %and3A_214 : vector<16xi32>
      %add3A_216 = arith.constant 5000 : i32
      %add3A_217 = vector.broadcast %add3A_216 : i32 to vector<16xi32>
      %add3A_218 = arith.addi %add3A_217, %and3A_215 : vector<16xi32>
      %ge3A_219 = arith.constant 0 : i32
      %ge3A_220 = vector.broadcast %ge3A_219 : i32 to vector<16xi32>
      %ge3A_221 = arith.cmpi sge, %get3A_210, %ge3A_220 : vector<16xi32>
      %select_n3A_222 = arith.select %ge3A_221, %get3A_210, %add3A_218 : vector<16xi1>, vector<16xi32>
      %swap3A_223 = arith.constant 64 : index
      %swap3A_224 = tpu.vector_load %arg7[%swap3A_223] {strides = array<i32>} : memref<80xi32, #tpu.memory_space<vmem>>, vector<16xi32>,
      tpu.vector_store %arg7[%swap3A_223], %select_n3A_222 {strides = array<i32>} : memref<80xi32, #tpu.memory_space<vmem>>, vector<16xi32>,
      %dma_start3A_225 = arith.constant 0 : i32
      %dma_start3A_226 = arith.constant 0 : i32
      %dma_start3A_227 = tpu.memref_slice %arg2[%dma_start3A_225, %dma_start3A_226] : memref<5064x256xf32, #tpu.memory_space<hbm>> -> memref<5064x256xf32, #tpu.memory_space<hbm>>
      tpu.enqueue_indirect_dma source(%dma_start3A_227 : memref<5064x256xf32, #tpu.memory_space<hbm>>) target(%arg8 : memref<80x256xf32, #tpu.memory_space<vmem>>) offsets(%arg7 : memref<80xi32, #tpu.memory_space<vmem>>) semaphore(%arg9 : memref<!tpu.dma_semaphore, #tpu.memory_space<semaphore_mem>>)
      %dma_wait3A_228 = arith.constant 0 : i32
      %dma_wait3A_229 = arith.constant 0 : i32
      %dma_wait3A_230 = tpu.memref_slice %arg2[%dma_wait3A_228, %dma_wait3A_229] : memref<5064x256xf32, #tpu.memory_space<hbm>> -> memref<5064x256xf32, #tpu.memory_space<hbm>>
      tpu.wait_indirect_dma semaphore(%arg9 : memref<!tpu.dma_semaphore, #tpu.memory_space<semaphore_mem>>) src(%dma_wait3A_230 : memref<5064x256xf32, #tpu.memory_space<hbm>>) dst(%arg8 : memref<80x256xf32, #tpu.memory_space<vmem>>)
      "tpu.region"() ({
        %run_scoped3A = tpu.sem_alloc : memref<!tpu.dma_semaphore, #tpu.memory_space<semaphore_mem>>
        %dma_start3A_427 = arith.constant 0 : i32
        %dma_start3A_428 = arith.constant 0 : i32
        %dma_start3A_429 = tpu.memref_slice %arg8[%dma_start3A_427, %dma_start3A_428] : memref<80x256xf32, #tpu.memory_space<vmem>> -> memref<80x256xf32, #tpu.memory_space<vmem>>
        %dma_start3A_430 = arith.constant 0 : i32
        %dma_start3A_431 = tpu.memref_slice %arg4[%add3A_134, %dma_start3A_430] : memref<10000x256xf32, #tpu.memory_space<hbm>> -> memref<80x256xf32, #tpu.memory_space<hbm>>
        %dma_start3A_432 = arith.constant 0 : i32
        %dma_start3A_433 = tpu.memref_slice %arg4[%add3A_134, %dma_start3A_432] : memref<10000x256xf32, #tpu.memory_space<hbm>> -> memref<80x256xf32, #tpu.memory_space<hbm>>
        %dma_start3A_434 = arith.constant 0 : i32
        %dma_start3A_435 = arith.constant 0 : i32
        %dma_start3A_436 = tpu.memref_slice %arg8[%dma_start3A_434, %dma_start3A_435] : memref<80x256xf32, #tpu.memory_space<vmem>> -> memref<80x256xf32, #tpu.memory_space<vmem>>
        tpu.enqueue_dma source(%dma_start3A_436 : memref<80x256xf32, #tpu.memory_space<vmem>>) target(%dma_start3A_433 : memref<80x256xf32, #tpu.memory_space<hbm>>) target_semaphore(%run_scoped3A : memref<!tpu.dma_semaphore, #tpu.memory_space<semaphore_mem>>)
        %dma_wait3A_437 = arith.constant 0 : i32
        %dma_wait3A_438 = arith.constant 0 : i32
        %dma_wait3A_439 = tpu.memref_slice %arg8[%dma_wait3A_437, %dma_wait3A_438] : memref<80x256xf32, #tpu.memory_space<vmem>> -> memref<80x256xf32, #tpu.memory_space<vmem>>
        %dma_wait3A_440 = arith.constant 0 : i32
        %dma_wait3A_441 = tpu.memref_slice %arg4[%add3A_134, %dma_wait3A_440] : memref<10000x256xf32, #tpu.memory_space<hbm>> -> memref<80x256xf32, #tpu.memory_space<hbm>>
        %dma_wait3A_442 = arith.constant 0 : i32
        %dma_wait3A_443 = tpu.memref_slice %arg4[%add3A_134, %dma_wait3A_442] : memref<10000x256xf32, #tpu.memory_space<hbm>> -> memref<80x256xf32, #tpu.memory_space<hbm>>
        %dma_wait3A_444 = arith.constant 0 : i32
        %dma_wait3A_445 = arith.constant 0 : i32
        %dma_wait3A_446 = tpu.memref_slice %arg8[%dma_wait3A_444, %dma_wait3A_445] : memref<80x256xf32, #tpu.memory_space<vmem>> -> memref<80x256xf32, #tpu.memory_space<vmem>>
        tpu.wait_dma2 semaphore(%run_scoped3A : memref<!tpu.dma_semaphore, #tpu.memory_space<semaphore_mem>>) src(%dma_wait3A_446 : memref<80x256xf32, #tpu.memory_space<vmem>>) dst(%dma_wait3A_443 : memref<80x256xf32, #tpu.memory_space<hbm>>)
        tpu.yield
      }) : () -> ()
      %add3A_231 = arith.constant 160 : i32
      %add3A_232 = arith.addi %mul3A_39, %add3A_231 : i32
      %add3A_233 = arith.constant 0 : i32
      %add3A_234 = arith.addi %add3A_232, %add3A_233 : i32
      %get3A_235 = arith.index_cast %add3A_234 : i32 to index
      %get3A_236 = tpu.vector_load %arg6[%get3A_235] {strides = array<i32>} : memref<10016xi32, #tpu.memory_space<vmem>>, vector<16xi32>,
      %add3A_237 = vector.broadcast %add3A_234 : i32 to vector<16xi32>
      %add3A_238 = arith.addi %add3A_237, %iota3A : vector<16xi32>
      %and3A_239 = arith.constant 63 : i32
      %and3A_240 = vector.broadcast %and3A_239 : i32 to vector<16xi32>
      %and3A_241 = arith.andi %add3A_238, %and3A_240 : vector<16xi32>
      %add3A_242 = arith.constant 5000 : i32
      %add3A_243 = vector.broadcast %add3A_242 : i32 to vector<16xi32>
      %add3A_244 = arith.addi %add3A_243, %and3A_241 : vector<16xi32>
      %ge3A_245 = arith.constant 0 : i32
      %ge3A_246 = vector.broadcast %ge3A_245 : i32 to vector<16xi32>
      %ge3A_247 = arith.cmpi sge, %get3A_236, %ge3A_246 : vector<16xi32>
      %select_n3A_248 = arith.select %ge3A_247, %get3A_236, %add3A_244 : vector<16xi1>, vector<16xi32>
      %swap3A_249 = arith.constant 0 : index
      %swap3A_250 = tpu.vector_load %arg7[%swap3A_249] {strides = array<i32>} : memref<80xi32, #tpu.memory_space<vmem>>, vector<16xi32>,
      tpu.vector_store %arg7[%swap3A_249], %select_n3A_248 {strides = array<i32>} : memref<80xi32, #tpu.memory_space<vmem>>, vector<16xi32>,
      %add3A_251 = arith.constant 16 : i32
      %add3A_252 = arith.addi %add3A_232, %add3A_251 : i32
      %get3A_253 = arith.index_cast %add3A_252 : i32 to index
      %get3A_254 = tpu.vector_load %arg6[%get3A_253] {strides = array<i32>} : memref<10016xi32, #tpu.memory_space<vmem>>, vector<16xi32>,
      %add3A_255 = vector.broadcast %add3A_252 : i32 to vector<16xi32>
      %add3A_256 = arith.addi %add3A_255, %iota3A : vector<16xi32>
      %and3A_257 = arith.constant 63 : i32
      %and3A_258 = vector.broadcast %and3A_257 : i32 to vector<16xi32>
      %and3A_259 = arith.andi %add3A_256, %and3A_258 : vector<16xi32>
      %add3A_260 = arith.constant 5000 : i32
      %add3A_261 = vector.broadcast %add3A_260 : i32 to vector<16xi32>
      %add3A_262 = arith.addi %add3A_261, %and3A_259 : vector<16xi32>
      %ge3A_263 = arith.constant 0 : i32
      %ge3A_264 = vector.broadcast %ge3A_263 : i32 to vector<16xi32>
      %ge3A_265 = arith.cmpi sge, %get3A_254, %ge3A_264 : vector<16xi32>
      %select_n3A_266 = arith.select %ge3A_265, %get3A_254, %add3A_262 : vector<16xi1>, vector<16xi32>
      %swap3A_267 = arith.constant 16 : index
      %swap3A_268 = tpu.vector_load %arg7[%swap3A_267] {strides = array<i32>} : memref<80xi32, #tpu.memory_space<vmem>>, vector<16xi32>,
      tpu.vector_store %arg7[%swap3A_267], %select_n3A_266 {strides = array<i32>} : memref<80xi32, #tpu.memory_space<vmem>>, vector<16xi32>,
      %add3A_269 = arith.constant 32 : i32
      %add3A_270 = arith.addi %add3A_232, %add3A_269 : i32
      %get3A_271 = arith.index_cast %add3A_270 : i32 to index
      %get3A_272 = tpu.vector_load %arg6[%get3A_271] {strides = array<i32>} : memref<10016xi32, #tpu.memory_space<vmem>>, vector<16xi32>,
      %add3A_273 = vector.broadcast %add3A_270 : i32 to vector<16xi32>
      %add3A_274 = arith.addi %add3A_273, %iota3A : vector<16xi32>
      %and3A_275 = arith.constant 63 : i32
      %and3A_276 = vector.broadcast %and3A_275 : i32 to vector<16xi32>
      %and3A_277 = arith.andi %add3A_274, %and3A_276 : vector<16xi32>
      %add3A_278 = arith.constant 5000 : i32
      %add3A_279 = vector.broadcast %add3A_278 : i32 to vector<16xi32>
      %add3A_280 = arith.addi %add3A_279, %and3A_277 : vector<16xi32>
      %ge3A_281 = arith.constant 0 : i32
      %ge3A_282 = vector.broadcast %ge3A_281 : i32 to vector<16xi32>
      %ge3A_283 = arith.cmpi sge, %get3A_272, %ge3A_282 : vector<16xi32>
      %select_n3A_284 = arith.select %ge3A_283, %get3A_272, %add3A_280 : vector<16xi1>, vector<16xi32>
      %swap3A_285 = arith.constant 32 : index
      %swap3A_286 = tpu.vector_load %arg7[%swap3A_285] {strides = array<i32>} : memref<80xi32, #tpu.memory_space<vmem>>, vector<16xi32>,
      tpu.vector_store %arg7[%swap3A_285], %select_n3A_284 {strides = array<i32>} : memref<80xi32, #tpu.memory_space<vmem>>, vector<16xi32>,
      %add3A_287 = arith.constant 48 : i32
      %add3A_288 = arith.addi %add3A_232, %add3A_287 : i32
      %get3A_289 = arith.index_cast %add3A_288 : i32 to index
      %get3A_290 = tpu.vector_load %arg6[%get3A_289] {strides = array<i32>} : memref<10016xi32, #tpu.memory_space<vmem>>, vector<16xi32>,
      %add3A_291 = vector.broadcast %add3A_288 : i32 to vector<16xi32>
      %add3A_292 = arith.addi %add3A_291, %iota3A : vector<16xi32>
      %and3A_293 = arith.constant 63 : i32
      %and3A_294 = vector.broadcast %and3A_293 : i32 to vector<16xi32>
      %and3A_295 = arith.andi %add3A_292, %and3A_294 : vector<16xi32>
      %add3A_296 = arith.constant 5000 : i32
      %add3A_297 = vector.broadcast %add3A_296 : i32 to vector<16xi32>
      %add3A_298 = arith.addi %add3A_297, %and3A_295 : vector<16xi32>
      %ge3A_299 = arith.constant 0 : i32
      %ge3A_300 = vector.broadcast %ge3A_299 : i32 to vector<16xi32>
      %ge3A_301 = arith.cmpi sge, %get3A_290, %ge3A_300 : vector<16xi32>
      %select_n3A_302 = arith.select %ge3A_301, %get3A_290, %add3A_298 : vector<16xi1>, vector<16xi32>
      %swap3A_303 = arith.constant 48 : index
      %swap3A_304 = tpu.vector_load %arg7[%swap3A_303] {strides = array<i32>} : memref<80xi32, #tpu.memory_space<vmem>>, vector<16xi32>,
      tpu.vector_store %arg7[%swap3A_303], %select_n3A_302 {strides = array<i32>} : memref<80xi32, #tpu.memory_space<vmem>>, vector<16xi32>,
      %add3A_305 = arith.constant 64 : i32
      %add3A_306 = arith.addi %add3A_232, %add3A_305 : i32
      %get3A_307 = arith.index_cast %add3A_306 : i32 to index
      %get3A_308 = tpu.vector_load %arg6[%get3A_307] {strides = array<i32>} : memref<10016xi32, #tpu.memory_space<vmem>>, vector<16xi32>,
      %add3A_309 = vector.broadcast %add3A_306 : i32 to vector<16xi32>
      %add3A_310 = arith.addi %add3A_309, %iota3A : vector<16xi32>
      %and3A_311 = arith.constant 63 : i32
      %and3A_312 = vector.broadcast %and3A_311 : i32 to vector<16xi32>
      %and3A_313 = arith.andi %add3A_310, %and3A_312 : vector<16xi32>
      %add3A_314 = arith.constant 5000 : i32
      %add3A_315 = vector.broadcast %add3A_314 : i32 to vector<16xi32>
      %add3A_316 = arith.addi %add3A_315, %and3A_313 : vector<16xi32>
      %ge3A_317 = arith.constant 0 : i32
      %ge3A_318 = vector.broadcast %ge3A_317 : i32 to vector<16xi32>
      %ge3A_319 = arith.cmpi sge, %get3A_308, %ge3A_318 : vector<16xi32>
      %select_n3A_320 = arith.select %ge3A_319, %get3A_308, %add3A_316 : vector<16xi1>, vector<16xi32>
      %swap3A_321 = arith.constant 64 : index
      %swap3A_322 = tpu.vector_load %arg7[%swap3A_321] {strides = array<i32>} : memref<80xi32, #tpu.memory_space<vmem>>, vector<16xi32>,
      tpu.vector_store %arg7[%swap3A_321], %select_n3A_320 {strides = array<i32>} : memref<80xi32, #tpu.memory_space<vmem>>, vector<16xi32>,
      %dma_start3A_323 = arith.constant 0 : i32
      %dma_start3A_324 = arith.constant 0 : i32
      %dma_start3A_325 = tpu.memref_slice %arg2[%dma_start3A_323, %dma_start3A_324] : memref<5064x256xf32, #tpu.memory_space<hbm>> -> memref<5064x256xf32, #tpu.memory_space<hbm>>
      tpu.enqueue_indirect_dma source(%dma_start3A_325 : memref<5064x256xf32, #tpu.memory_space<hbm>>) target(%arg8 : memref<80x256xf32, #tpu.memory_space<vmem>>) offsets(%arg7 : memref<80xi32, #tpu.memory_space<vmem>>) semaphore(%arg9 : memref<!tpu.dma_semaphore, #tpu.memory_space<semaphore_mem>>)
      %dma_wait3A_326 = arith.constant 0 : i32
      %dma_wait3A_327 = arith.constant 0 : i32
      %dma_wait3A_328 = tpu.memref_slice %arg2[%dma_wait3A_326, %dma_wait3A_327] : memref<5064x256xf32, #tpu.memory_space<hbm>> -> memref<5064x256xf32, #tpu.memory_space<hbm>>
      tpu.wait_indirect_dma semaphore(%arg9 : memref<!tpu.dma_semaphore, #tpu.memory_space<semaphore_mem>>) src(%dma_wait3A_328 : memref<5064x256xf32, #tpu.memory_space<hbm>>) dst(%arg8 : memref<80x256xf32, #tpu.memory_space<vmem>>)
      "tpu.region"() ({
        %run_scoped3A = tpu.sem_alloc : memref<!tpu.dma_semaphore, #tpu.memory_space<semaphore_mem>>
        %dma_start3A_427 = arith.constant 0 : i32
        %dma_start3A_428 = arith.constant 0 : i32
        %dma_start3A_429 = tpu.memref_slice %arg8[%dma_start3A_427, %dma_start3A_428] : memref<80x256xf32, #tpu.memory_space<vmem>> -> memref<80x256xf32, #tpu.memory_space<vmem>>
        %dma_start3A_430 = arith.constant 0 : i32
        %dma_start3A_431 = tpu.memref_slice %arg4[%add3A_232, %dma_start3A_430] : memref<10000x256xf32, #tpu.memory_space<hbm>> -> memref<80x256xf32, #tpu.memory_space<hbm>>
        %dma_start3A_432 = arith.constant 0 : i32
        %dma_start3A_433 = tpu.memref_slice %arg4[%add3A_232, %dma_start3A_432] : memref<10000x256xf32, #tpu.memory_space<hbm>> -> memref<80x256xf32, #tpu.memory_space<hbm>>
        %dma_start3A_434 = arith.constant 0 : i32
        %dma_start3A_435 = arith.constant 0 : i32
        %dma_start3A_436 = tpu.memref_slice %arg8[%dma_start3A_434, %dma_start3A_435] : memref<80x256xf32, #tpu.memory_space<vmem>> -> memref<80x256xf32, #tpu.memory_space<vmem>>
        tpu.enqueue_dma source(%dma_start3A_436 : memref<80x256xf32, #tpu.memory_space<vmem>>) target(%dma_start3A_433 : memref<80x256xf32, #tpu.memory_space<hbm>>) target_semaphore(%run_scoped3A : memref<!tpu.dma_semaphore, #tpu.memory_space<semaphore_mem>>)
        %dma_wait3A_437 = arith.constant 0 : i32
        %dma_wait3A_438 = arith.constant 0 : i32
        %dma_wait3A_439 = tpu.memref_slice %arg8[%dma_wait3A_437, %dma_wait3A_438] : memref<80x256xf32, #tpu.memory_space<vmem>> -> memref<80x256xf32, #tpu.memory_space<vmem>>
        %dma_wait3A_440 = arith.constant 0 : i32
        %dma_wait3A_441 = tpu.memref_slice %arg4[%add3A_232, %dma_wait3A_440] : memref<10000x256xf32, #tpu.memory_space<hbm>> -> memref<80x256xf32, #tpu.memory_space<hbm>>
        %dma_wait3A_442 = arith.constant 0 : i32
        %dma_wait3A_443 = tpu.memref_slice %arg4[%add3A_232, %dma_wait3A_442] : memref<10000x256xf32, #tpu.memory_space<hbm>> -> memref<80x256xf32, #tpu.memory_space<hbm>>
        %dma_wait3A_444 = arith.constant 0 : i32
        %dma_wait3A_445 = arith.constant 0 : i32
        %dma_wait3A_446 = tpu.memref_slice %arg8[%dma_wait3A_444, %dma_wait3A_445] : memref<80x256xf32, #tpu.memory_space<vmem>> -> memref<80x256xf32, #tpu.memory_space<vmem>>
        tpu.wait_dma2 semaphore(%run_scoped3A : memref<!tpu.dma_semaphore, #tpu.memory_space<semaphore_mem>>) src(%dma_wait3A_446 : memref<80x256xf32, #tpu.memory_space<vmem>>) dst(%dma_wait3A_443 : memref<80x256xf32, #tpu.memory_space<hbm>>)
        tpu.yield
      }) : () -> ()
      %add3A_329 = arith.constant 240 : i32
      %add3A_330 = arith.addi %mul3A_39, %add3A_329 : i32
      %add3A_331 = arith.constant 0 : i32
      %add3A_332 = arith.addi %add3A_330, %add3A_331 : i32
      %get3A_333 = arith.index_cast %add3A_332 : i32 to index
      %get3A_334 = tpu.vector_load %arg6[%get3A_333] {strides = array<i32>} : memref<10016xi32, #tpu.memory_space<vmem>>, vector<16xi32>,
      %add3A_335 = vector.broadcast %add3A_332 : i32 to vector<16xi32>
      %add3A_336 = arith.addi %add3A_335, %iota3A : vector<16xi32>
      %and3A_337 = arith.constant 63 : i32
      %and3A_338 = vector.broadcast %and3A_337 : i32 to vector<16xi32>
      %and3A_339 = arith.andi %add3A_336, %and3A_338 : vector<16xi32>
      %add3A_340 = arith.constant 5000 : i32
      %add3A_341 = vector.broadcast %add3A_340 : i32 to vector<16xi32>
      %add3A_342 = arith.addi %add3A_341, %and3A_339 : vector<16xi32>
      %ge3A_343 = arith.constant 0 : i32
      %ge3A_344 = vector.broadcast %ge3A_343 : i32 to vector<16xi32>
      %ge3A_345 = arith.cmpi sge, %get3A_334, %ge3A_344 : vector<16xi32>
      %select_n3A_346 = arith.select %ge3A_345, %get3A_334, %add3A_342 : vector<16xi1>, vector<16xi32>
      %swap3A_347 = arith.constant 0 : index
      %swap3A_348 = tpu.vector_load %arg7[%swap3A_347] {strides = array<i32>} : memref<80xi32, #tpu.memory_space<vmem>>, vector<16xi32>,
      tpu.vector_store %arg7[%swap3A_347], %select_n3A_346 {strides = array<i32>} : memref<80xi32, #tpu.memory_space<vmem>>, vector<16xi32>,
      %add3A_349 = arith.constant 16 : i32
      %add3A_350 = arith.addi %add3A_330, %add3A_349 : i32
      %get3A_351 = arith.index_cast %add3A_350 : i32 to index
      %get3A_352 = tpu.vector_load %arg6[%get3A_351] {strides = array<i32>} : memref<10016xi32, #tpu.memory_space<vmem>>, vector<16xi32>,
      %add3A_353 = vector.broadcast %add3A_350 : i32 to vector<16xi32>
      %add3A_354 = arith.addi %add3A_353, %iota3A : vector<16xi32>
      %and3A_355 = arith.constant 63 : i32
      %and3A_356 = vector.broadcast %and3A_355 : i32 to vector<16xi32>
      %and3A_357 = arith.andi %add3A_354, %and3A_356 : vector<16xi32>
      %add3A_358 = arith.constant 5000 : i32
      %add3A_359 = vector.broadcast %add3A_358 : i32 to vector<16xi32>
      %add3A_360 = arith.addi %add3A_359, %and3A_357 : vector<16xi32>
      %ge3A_361 = arith.constant 0 : i32
      %ge3A_362 = vector.broadcast %ge3A_361 : i32 to vector<16xi32>
      %ge3A_363 = arith.cmpi sge, %get3A_352, %ge3A_362 : vector<16xi32>
      %select_n3A_364 = arith.select %ge3A_363, %get3A_352, %add3A_360 : vector<16xi1>, vector<16xi32>
      %swap3A_365 = arith.constant 16 : index
      %swap3A_366 = tpu.vector_load %arg7[%swap3A_365] {strides = array<i32>} : memref<80xi32, #tpu.memory_space<vmem>>, vector<16xi32>,
      tpu.vector_store %arg7[%swap3A_365], %select_n3A_364 {strides = array<i32>} : memref<80xi32, #tpu.memory_space<vmem>>, vector<16xi32>,
      %add3A_367 = arith.constant 32 : i32
      %add3A_368 = arith.addi %add3A_330, %add3A_367 : i32
      %get3A_369 = arith.index_cast %add3A_368 : i32 to index
      %get3A_370 = tpu.vector_load %arg6[%get3A_369] {strides = array<i32>} : memref<10016xi32, #tpu.memory_space<vmem>>, vector<16xi32>,
      %add3A_371 = vector.broadcast %add3A_368 : i32 to vector<16xi32>
      %add3A_372 = arith.addi %add3A_371, %iota3A : vector<16xi32>
      %and3A_373 = arith.constant 63 : i32
      %and3A_374 = vector.broadcast %and3A_373 : i32 to vector<16xi32>
      %and3A_375 = arith.andi %add3A_372, %and3A_374 : vector<16xi32>
      %add3A_376 = arith.constant 5000 : i32
      %add3A_377 = vector.broadcast %add3A_376 : i32 to vector<16xi32>
      %add3A_378 = arith.addi %add3A_377, %and3A_375 : vector<16xi32>
      %ge3A_379 = arith.constant 0 : i32
      %ge3A_380 = vector.broadcast %ge3A_379 : i32 to vector<16xi32>
      %ge3A_381 = arith.cmpi sge, %get3A_370, %ge3A_380 : vector<16xi32>
      %select_n3A_382 = arith.select %ge3A_381, %get3A_370, %add3A_378 : vector<16xi1>, vector<16xi32>
      %swap3A_383 = arith.constant 32 : index
      %swap3A_384 = tpu.vector_load %arg7[%swap3A_383] {strides = array<i32>} : memref<80xi32, #tpu.memory_space<vmem>>, vector<16xi32>,
      tpu.vector_store %arg7[%swap3A_383], %select_n3A_382 {strides = array<i32>} : memref<80xi32, #tpu.memory_space<vmem>>, vector<16xi32>,
      %add3A_385 = arith.constant 48 : i32
      %add3A_386 = arith.addi %add3A_330, %add3A_385 : i32
      %get3A_387 = arith.index_cast %add3A_386 : i32 to index
      %get3A_388 = tpu.vector_load %arg6[%get3A_387] {strides = array<i32>} : memref<10016xi32, #tpu.memory_space<vmem>>, vector<16xi32>,
      %add3A_389 = vector.broadcast %add3A_386 : i32 to vector<16xi32>
      %add3A_390 = arith.addi %add3A_389, %iota3A : vector<16xi32>
      %and3A_391 = arith.constant 63 : i32
      %and3A_392 = vector.broadcast %and3A_391 : i32 to vector<16xi32>
      %and3A_393 = arith.andi %add3A_390, %and3A_392 : vector<16xi32>
      %add3A_394 = arith.constant 5000 : i32
      %add3A_395 = vector.broadcast %add3A_394 : i32 to vector<16xi32>
      %add3A_396 = arith.addi %add3A_395, %and3A_393 : vector<16xi32>
      %ge3A_397 = arith.constant 0 : i32
      %ge3A_398 = vector.broadcast %ge3A_397 : i32 to vector<16xi32>
      %ge3A_399 = arith.cmpi sge, %get3A_388, %ge3A_398 : vector<16xi32>
      %select_n3A_400 = arith.select %ge3A_399, %get3A_388, %add3A_396 : vector<16xi1>, vector<16xi32>
      %swap3A_401 = arith.constant 48 : index
      %swap3A_402 = tpu.vector_load %arg7[%swap3A_401] {strides = array<i32>} : memref<80xi32, #tpu.memory_space<vmem>>, vector<16xi32>,
      tpu.vector_store %arg7[%swap3A_401], %select_n3A_400 {strides = array<i32>} : memref<80xi32, #tpu.memory_space<vmem>>, vector<16xi32>,
      %add3A_403 = arith.constant 64 : i32
      %add3A_404 = arith.addi %add3A_330, %add3A_403 : i32
      %get3A_405 = arith.index_cast %add3A_404 : i32 to index
      %get3A_406 = tpu.vector_load %arg6[%get3A_405] {strides = array<i32>} : memref<10016xi32, #tpu.memory_space<vmem>>, vector<16xi32>,
      %add3A_407 = vector.broadcast %add3A_404 : i32 to vector<16xi32>
      %add3A_408 = arith.addi %add3A_407, %iota3A : vector<16xi32>
      %and3A_409 = arith.constant 63 : i32
      %and3A_410 = vector.broadcast %and3A_409 : i32 to vector<16xi32>
      %and3A_411 = arith.andi %add3A_408, %and3A_410 : vector<16xi32>
      %add3A_412 = arith.constant 5000 : i32
      %add3A_413 = vector.broadcast %add3A_412 : i32 to vector<16xi32>
      %add3A_414 = arith.addi %add3A_413, %and3A_411 : vector<16xi32>
      %ge3A_415 = arith.constant 0 : i32
      %ge3A_416 = vector.broadcast %ge3A_415 : i32 to vector<16xi32>
      %ge3A_417 = arith.cmpi sge, %get3A_406, %ge3A_416 : vector<16xi32>
      %select_n3A_418 = arith.select %ge3A_417, %get3A_406, %add3A_414 : vector<16xi1>, vector<16xi32>
      %swap3A_419 = arith.constant 64 : index
      %swap3A_420 = tpu.vector_load %arg7[%swap3A_419] {strides = array<i32>} : memref<80xi32, #tpu.memory_space<vmem>>, vector<16xi32>,
      tpu.vector_store %arg7[%swap3A_419], %select_n3A_418 {strides = array<i32>} : memref<80xi32, #tpu.memory_space<vmem>>, vector<16xi32>,
      %dma_start3A_421 = arith.constant 0 : i32
      %dma_start3A_422 = arith.constant 0 : i32
      %dma_start3A_423 = tpu.memref_slice %arg2[%dma_start3A_421, %dma_start3A_422] : memref<5064x256xf32, #tpu.memory_space<hbm>> -> memref<5064x256xf32, #tpu.memory_space<hbm>>
      tpu.enqueue_indirect_dma source(%dma_start3A_423 : memref<5064x256xf32, #tpu.memory_space<hbm>>) target(%arg8 : memref<80x256xf32, #tpu.memory_space<vmem>>) offsets(%arg7 : memref<80xi32, #tpu.memory_space<vmem>>) semaphore(%arg9 : memref<!tpu.dma_semaphore, #tpu.memory_space<semaphore_mem>>)
      %dma_wait3A_424 = arith.constant 0 : i32
      %dma_wait3A_425 = arith.constant 0 : i32
      %dma_wait3A_426 = tpu.memref_slice %arg2[%dma_wait3A_424, %dma_wait3A_425] : memref<5064x256xf32, #tpu.memory_space<hbm>> -> memref<5064x256xf32, #tpu.memory_space<hbm>>
      tpu.wait_indirect_dma semaphore(%arg9 : memref<!tpu.dma_semaphore, #tpu.memory_space<semaphore_mem>>) src(%dma_wait3A_426 : memref<5064x256xf32, #tpu.memory_space<hbm>>) dst(%arg8 : memref<80x256xf32, #tpu.memory_space<vmem>>)
      "tpu.region"() ({
        %run_scoped3A = tpu.sem_alloc : memref<!tpu.dma_semaphore, #tpu.memory_space<semaphore_mem>>
        %dma_start3A_427 = arith.constant 0 : i32
        %dma_start3A_428 = arith.constant 0 : i32
        %dma_start3A_429 = tpu.memref_slice %arg8[%dma_start3A_427, %dma_start3A_428] : memref<80x256xf32, #tpu.memory_space<vmem>> -> memref<80x256xf32, #tpu.memory_space<vmem>>
        %dma_start3A_430 = arith.constant 0 : i32
        %dma_start3A_431 = tpu.memref_slice %arg4[%add3A_330, %dma_start3A_430] : memref<10000x256xf32, #tpu.memory_space<hbm>> -> memref<80x256xf32, #tpu.memory_space<hbm>>
        %dma_start3A_432 = arith.constant 0 : i32
        %dma_start3A_433 = tpu.memref_slice %arg4[%add3A_330, %dma_start3A_432] : memref<10000x256xf32, #tpu.memory_space<hbm>> -> memref<80x256xf32, #tpu.memory_space<hbm>>
        %dma_start3A_434 = arith.constant 0 : i32
        %dma_start3A_435 = arith.constant 0 : i32
        %dma_start3A_436 = tpu.memref_slice %arg8[%dma_start3A_434, %dma_start3A_435] : memref<80x256xf32, #tpu.memory_space<vmem>> -> memref<80x256xf32, #tpu.memory_space<vmem>>
        tpu.enqueue_dma source(%dma_start3A_436 : memref<80x256xf32, #tpu.memory_space<vmem>>) target(%dma_start3A_433 : memref<80x256xf32, #tpu.memory_space<hbm>>) target_semaphore(%run_scoped3A : memref<!tpu.dma_semaphore, #tpu.memory_space<semaphore_mem>>)
        %dma_wait3A_437 = arith.constant 0 : i32
        %dma_wait3A_438 = arith.constant 0 : i32
        %dma_wait3A_439 = tpu.memref_slice %arg8[%dma_wait3A_437, %dma_wait3A_438] : memref<80x256xf32, #tpu.memory_space<vmem>> -> memref<80x256xf32, #tpu.memory_space<vmem>>
        %dma_wait3A_440 = arith.constant 0 : i32
        %dma_wait3A_441 = tpu.memref_slice %arg4[%add3A_330, %dma_wait3A_440] : memref<10000x256xf32, #tpu.memory_space<hbm>> -> memref<80x256xf32, #tpu.memory_space<hbm>>
        %dma_wait3A_442 = arith.constant 0 : i32
        %dma_wait3A_443 = tpu.memref_slice %arg4[%add3A_330, %dma_wait3A_442] : memref<10000x256xf32, #tpu.memory_space<hbm>> -> memref<80x256xf32, #tpu.memory_space<hbm>>
        %dma_wait3A_444 = arith.constant 0 : i32
        %dma_wait3A_445 = arith.constant 0 : i32
        %dma_wait3A_446 = tpu.memref_slice %arg8[%dma_wait3A_444, %dma_wait3A_445] : memref<80x256xf32, #tpu.memory_space<vmem>> -> memref<80x256xf32, #tpu.memory_space<vmem>>
        tpu.wait_dma2 semaphore(%run_scoped3A : memref<!tpu.dma_semaphore, #tpu.memory_space<semaphore_mem>>) src(%dma_wait3A_446 : memref<80x256xf32, #tpu.memory_space<vmem>>) dst(%dma_wait3A_443 : memref<80x256xf32, #tpu.memory_space<hbm>>)
        tpu.yield
      }) : () -> ()
    } else {
    }
    %ge3A = arith.constant 2 : i32
    %ge3A_34 = arith.cmpi sge, %add3A, %ge3A : i32
    %convert_element_type3A_35 = arith.extui %ge3A_34 : i1 to i32
    %cond3A_36 = arith.constant 0 : i32
    %cond3A_37 = arith.cmpi ne, %convert_element_type3A_35, %cond3A_36 : i32
    scf.if %cond3A_37 {
      %mul3A_38 = arith.constant 312 : i32
      %mul3A_39 = arith.muli %add3A, %mul3A_38 : i32
      %add3A_40 = arith.constant 16 : i32
      %add3A_41 = arith.addi %mul3A_39, %add3A_40 : i32
      %add3A_42 = arith.constant 0 : i32
      %add3A_43 = arith.addi %add3A_41, %add3A_42 : i32
      %add3A_44 = arith.constant 0 : i32
      %add3A_45 = arith.addi %add3A_43, %add3A_44 : i32
      %get3A = arith.index_cast %add3A_45 : i32 to index
      %get3A_46 = tpu.vector_load %arg6[%get3A] {strides = array<i32>} : memref<10016xi32, #tpu.memory_space<vmem>>, vector<16xi32>,
      %add3A_47 = vector.broadcast %add3A_45 : i32 to vector<16xi32>
      %add3A_48 = arith.addi %add3A_47, %iota3A : vector<16xi32>
      %and3A = arith.constant 63 : i32
      %and3A_49 = vector.broadcast %and3A : i32 to vector<16xi32>
      %and3A_50 = arith.andi %add3A_48, %and3A_49 : vector<16xi32>
      %add3A_51 = arith.constant 5000 : i32
      %add3A_52 = vector.broadcast %add3A_51 : i32 to vector<16xi32>
      %add3A_53 = arith.addi %add3A_52, %and3A_50 : vector<16xi32>
      %ge3A_54 = arith.constant 0 : i32
      %ge3A_55 = vector.broadcast %ge3A_54 : i32 to vector<16xi32>
      %ge3A_56 = arith.cmpi sge, %get3A_46, %ge3A_55 : vector<16xi32>
      %select_n3A = arith.select %ge3A_56, %get3A_46, %add3A_53 : vector<16xi1>, vector<16xi32>
      %swap3A_57 = arith.constant 0 : index
      %swap3A_58 = tpu.vector_load %arg7[%swap3A_57] {strides = array<i32>} : memref<80xi32, #tpu.memory_space<vmem>>, vector<16xi32>,
      tpu.vector_store %arg7[%swap3A_57], %select_n3A {strides = array<i32>} : memref<80xi32, #tpu.memory_space<vmem>>, vector<16xi32>,
      %add3A_59 = arith.constant 16 : i32
      %add3A_60 = arith.addi %add3A_43, %add3A_59 : i32
      %get3A_61 = arith.index_cast %add3A_60 : i32 to index
      %get3A_62 = tpu.vector_load %arg6[%get3A_61] {strides = array<i32>} : memref<10016xi32, #tpu.memory_space<vmem>>, vector<16xi32>,
      %add3A_63 = vector.broadcast %add3A_60 : i32 to vector<16xi32>
      %add3A_64 = arith.addi %add3A_63, %iota3A : vector<16xi32>
      %and3A_65 = arith.constant 63 : i32
      %and3A_66 = vector.broadcast %and3A_65 : i32 to vector<16xi32>
      %and3A_67 = arith.andi %add3A_64, %and3A_66 : vector<16xi32>
      %add3A_68 = arith.constant 5000 : i32
      %add3A_69 = vector.broadcast %add3A_68 : i32 to vector<16xi32>
      %add3A_70 = arith.addi %add3A_69, %and3A_67 : vector<16xi32>
      %ge3A_71 = arith.constant 0 : i32
      %ge3A_72 = vector.broadcast %ge3A_71 : i32 to vector<16xi32>
      %ge3A_73 = arith.cmpi sge, %get3A_62, %ge3A_72 : vector<16xi32>
      %select_n3A_74 = arith.select %ge3A_73, %get3A_62, %add3A_70 : vector<16xi1>, vector<16xi32>
      %swap3A_75 = arith.constant 16 : index
      %swap3A_76 = tpu.vector_load %arg7[%swap3A_75] {strides = array<i32>} : memref<80xi32, #tpu.memory_space<vmem>>, vector<16xi32>,
      tpu.vector_store %arg7[%swap3A_75], %select_n3A_74 {strides = array<i32>} : memref<80xi32, #tpu.memory_space<vmem>>, vector<16xi32>,
      %add3A_77 = arith.constant 32 : i32
      %add3A_78 = arith.addi %add3A_43, %add3A_77 : i32
      %get3A_79 = arith.index_cast %add3A_78 : i32 to index
      %get3A_80 = tpu.vector_load %arg6[%get3A_79] {strides = array<i32>} : memref<10016xi32, #tpu.memory_space<vmem>>, vector<16xi32>,
      %add3A_81 = vector.broadcast %add3A_78 : i32 to vector<16xi32>
      %add3A_82 = arith.addi %add3A_81, %iota3A : vector<16xi32>
      %and3A_83 = arith.constant 63 : i32
      %and3A_84 = vector.broadcast %and3A_83 : i32 to vector<16xi32>
      %and3A_85 = arith.andi %add3A_82, %and3A_84 : vector<16xi32>
      %add3A_86 = arith.constant 5000 : i32
      %add3A_87 = vector.broadcast %add3A_86 : i32 to vector<16xi32>
      %add3A_88 = arith.addi %add3A_87, %and3A_85 : vector<16xi32>
      %ge3A_89 = arith.constant 0 : i32
      %ge3A_90 = vector.broadcast %ge3A_89 : i32 to vector<16xi32>
      %ge3A_91 = arith.cmpi sge, %get3A_80, %ge3A_90 : vector<16xi32>
      %select_n3A_92 = arith.select %ge3A_91, %get3A_80, %add3A_88 : vector<16xi1>, vector<16xi32>
      %swap3A_93 = arith.constant 32 : index
      %swap3A_94 = tpu.vector_load %arg7[%swap3A_93] {strides = array<i32>} : memref<80xi32, #tpu.memory_space<vmem>>, vector<16xi32>,
      tpu.vector_store %arg7[%swap3A_93], %select_n3A_92 {strides = array<i32>} : memref<80xi32, #tpu.memory_space<vmem>>, vector<16xi32>,
      %add3A_95 = arith.constant 48 : i32
      %add3A_96 = arith.addi %add3A_43, %add3A_95 : i32
      %get3A_97 = arith.index_cast %add3A_96 : i32 to index
      %get3A_98 = tpu.vector_load %arg6[%get3A_97] {strides = array<i32>} : memref<10016xi32, #tpu.memory_space<vmem>>, vector<16xi32>,
      %add3A_99 = vector.broadcast %add3A_96 : i32 to vector<16xi32>
      %add3A_100 = arith.addi %add3A_99, %iota3A : vector<16xi32>
      %and3A_101 = arith.constant 63 : i32
      %and3A_102 = vector.broadcast %and3A_101 : i32 to vector<16xi32>
      %and3A_103 = arith.andi %add3A_100, %and3A_102 : vector<16xi32>
      %add3A_104 = arith.constant 5000 : i32
      %add3A_105 = vector.broadcast %add3A_104 : i32 to vector<16xi32>
      %add3A_106 = arith.addi %add3A_105, %and3A_103 : vector<16xi32>
      %ge3A_107 = arith.constant 0 : i32
      %ge3A_108 = vector.broadcast %ge3A_107 : i32 to vector<16xi32>
      %ge3A_109 = arith.cmpi sge, %get3A_98, %ge3A_108 : vector<16xi32>
      %select_n3A_110 = arith.select %ge3A_109, %get3A_98, %add3A_106 : vector<16xi1>, vector<16xi32>
      %swap3A_111 = arith.constant 48 : index
      %swap3A_112 = tpu.vector_load %arg7[%swap3A_111] {strides = array<i32>} : memref<80xi32, #tpu.memory_space<vmem>>, vector<16xi32>,
      tpu.vector_store %arg7[%swap3A_111], %select_n3A_110 {strides = array<i32>} : memref<80xi32, #tpu.memory_space<vmem>>, vector<16xi32>,
      %add3A_113 = arith.constant 64 : i32
      %add3A_114 = arith.addi %add3A_43, %add3A_113 : i32
      %get3A_115 = arith.index_cast %add3A_114 : i32 to index
      %get3A_116 = tpu.vector_load %arg6[%get3A_115] {strides = array<i32>} : memref<10016xi32, #tpu.memory_space<vmem>>, vector<16xi32>,
      %add3A_117 = vector.broadcast %add3A_114 : i32 to vector<16xi32>
      %add3A_118 = arith.addi %add3A_117, %iota3A : vector<16xi32>
      %and3A_119 = arith.constant 63 : i32
      %and3A_120 = vector.broadcast %and3A_119 : i32 to vector<16xi32>
      %and3A_121 = arith.andi %add3A_118, %and3A_120 : vector<16xi32>
      %add3A_122 = arith.constant 5000 : i32
      %add3A_123 = vector.broadcast %add3A_122 : i32 to vector<16xi32>
      %add3A_124 = arith.addi %add3A_123, %and3A_121 : vector<16xi32>
      %ge3A_125 = arith.constant 0 : i32
      %ge3A_126 = vector.broadcast %ge3A_125 : i32 to vector<16xi32>
      %ge3A_127 = arith.cmpi sge, %get3A_116, %ge3A_126 : vector<16xi32>
      %select_n3A_128 = arith.select %ge3A_127, %get3A_116, %add3A_124 : vector<16xi1>, vector<16xi32>
      %swap3A_129 = arith.constant 64 : index
      %swap3A_130 = tpu.vector_load %arg7[%swap3A_129] {strides = array<i32>} : memref<80xi32, #tpu.memory_space<vmem>>, vector<16xi32>,
      tpu.vector_store %arg7[%swap3A_129], %select_n3A_128 {strides = array<i32>} : memref<80xi32, #tpu.memory_space<vmem>>, vector<16xi32>,
      %dma_start3A = arith.constant 0 : i32
      %dma_start3A_131 = arith.constant 0 : i32
      %dma_start3A_132 = tpu.memref_slice %arg2[%dma_start3A, %dma_start3A_131] : memref<5064x256xf32, #tpu.memory_space<hbm>> -> memref<5064x256xf32, #tpu.memory_space<hbm>>
      tpu.enqueue_indirect_dma source(%dma_start3A_132 : memref<5064x256xf32, #tpu.memory_space<hbm>>) target(%arg8 : memref<80x256xf32, #tpu.memory_space<vmem>>) offsets(%arg7 : memref<80xi32, #tpu.memory_space<vmem>>) semaphore(%arg9 : memref<!tpu.dma_semaphore, #tpu.memory_space<semaphore_mem>>)
      %dma_wait3A = arith.constant 0 : i32
      %dma_wait3A_133 = arith.constant 0 : i32
      %dma_wait3A_134 = tpu.memref_slice %arg2[%dma_wait3A, %dma_wait3A_133] : memref<5064x256xf32, #tpu.memory_space<hbm>> -> memref<5064x256xf32, #tpu.memory_space<hbm>>
      tpu.wait_indirect_dma semaphore(%arg9 : memref<!tpu.dma_semaphore, #tpu.memory_space<semaphore_mem>>) src(%dma_wait3A_134 : memref<5064x256xf32, #tpu.memory_space<hbm>>) dst(%arg8 : memref<80x256xf32, #tpu.memory_space<vmem>>)
      "tpu.region"() ({
        %run_scoped3A = tpu.sem_alloc : memref<!tpu.dma_semaphore, #tpu.memory_space<semaphore_mem>>
        %dma_start3A_429 = arith.constant 0 : i32
        %dma_start3A_430 = arith.constant 0 : i32
        %dma_start3A_431 = tpu.memref_slice %arg8[%dma_start3A_429, %dma_start3A_430] : memref<80x256xf32, #tpu.memory_space<vmem>> -> memref<80x256xf32, #tpu.memory_space<vmem>>
        %dma_start3A_432 = arith.constant 0 : i32
        %dma_start3A_433 = tpu.memref_slice %arg4[%add3A_43, %dma_start3A_432] : memref<10000x256xf32, #tpu.memory_space<hbm>> -> memref<80x256xf32, #tpu.memory_space<hbm>>
        %dma_start3A_434 = arith.constant 0 : i32
        %dma_start3A_435 = tpu.memref_slice %arg4[%add3A_43, %dma_start3A_434] : memref<10000x256xf32, #tpu.memory_space<hbm>> -> memref<80x256xf32, #tpu.memory_space<hbm>>
        %dma_start3A_436 = arith.constant 0 : i32
        %dma_start3A_437 = arith.constant 0 : i32
        %dma_start3A_438 = tpu.memref_slice %arg8[%dma_start3A_436, %dma_start3A_437] : memref<80x256xf32, #tpu.memory_space<vmem>> -> memref<80x256xf32, #tpu.memory_space<vmem>>
        tpu.enqueue_dma source(%dma_start3A_438 : memref<80x256xf32, #tpu.memory_space<vmem>>) target(%dma_start3A_435 : memref<80x256xf32, #tpu.memory_space<hbm>>) target_semaphore(%run_scoped3A : memref<!tpu.dma_semaphore, #tpu.memory_space<semaphore_mem>>)
        %dma_wait3A_439 = arith.constant 0 : i32
        %dma_wait3A_440 = arith.constant 0 : i32
        %dma_wait3A_441 = tpu.memref_slice %arg8[%dma_wait3A_439, %dma_wait3A_440] : memref<80x256xf32, #tpu.memory_space<vmem>> -> memref<80x256xf32, #tpu.memory_space<vmem>>
        %dma_wait3A_442 = arith.constant 0 : i32
        %dma_wait3A_443 = tpu.memref_slice %arg4[%add3A_43, %dma_wait3A_442] : memref<10000x256xf32, #tpu.memory_space<hbm>> -> memref<80x256xf32, #tpu.memory_space<hbm>>
        %dma_wait3A_444 = arith.constant 0 : i32
        %dma_wait3A_445 = tpu.memref_slice %arg4[%add3A_43, %dma_wait3A_444] : memref<10000x256xf32, #tpu.memory_space<hbm>> -> memref<80x256xf32, #tpu.memory_space<hbm>>
        %dma_wait3A_446 = arith.constant 0 : i32
        %dma_wait3A_447 = arith.constant 0 : i32
        %dma_wait3A_448 = tpu.memref_slice %arg8[%dma_wait3A_446, %dma_wait3A_447] : memref<80x256xf32, #tpu.memory_space<vmem>> -> memref<80x256xf32, #tpu.memory_space<vmem>>
        tpu.wait_dma2 semaphore(%run_scoped3A : memref<!tpu.dma_semaphore, #tpu.memory_space<semaphore_mem>>) src(%dma_wait3A_448 : memref<80x256xf32, #tpu.memory_space<vmem>>) dst(%dma_wait3A_445 : memref<80x256xf32, #tpu.memory_space<hbm>>)
        tpu.yield
      }) : () -> ()
      %add3A_135 = arith.constant 80 : i32
      %add3A_136 = arith.addi %add3A_41, %add3A_135 : i32
      %add3A_137 = arith.constant 0 : i32
      %add3A_138 = arith.addi %add3A_136, %add3A_137 : i32
      %get3A_139 = arith.index_cast %add3A_138 : i32 to index
      %get3A_140 = tpu.vector_load %arg6[%get3A_139] {strides = array<i32>} : memref<10016xi32, #tpu.memory_space<vmem>>, vector<16xi32>,
      %add3A_141 = vector.broadcast %add3A_138 : i32 to vector<16xi32>
      %add3A_142 = arith.addi %add3A_141, %iota3A : vector<16xi32>
      %and3A_143 = arith.constant 63 : i32
      %and3A_144 = vector.broadcast %and3A_143 : i32 to vector<16xi32>
      %and3A_145 = arith.andi %add3A_142, %and3A_144 : vector<16xi32>
      %add3A_146 = arith.constant 5000 : i32
      %add3A_147 = vector.broadcast %add3A_146 : i32 to vector<16xi32>
      %add3A_148 = arith.addi %add3A_147, %and3A_145 : vector<16xi32>
      %ge3A_149 = arith.constant 0 : i32
      %ge3A_150 = vector.broadcast %ge3A_149 : i32 to vector<16xi32>
      %ge3A_151 = arith.cmpi sge, %get3A_140, %ge3A_150 : vector<16xi32>
      %select_n3A_152 = arith.select %ge3A_151, %get3A_140, %add3A_148 : vector<16xi1>, vector<16xi32>
      %swap3A_153 = arith.constant 0 : index
      %swap3A_154 = tpu.vector_load %arg7[%swap3A_153] {strides = array<i32>} : memref<80xi32, #tpu.memory_space<vmem>>, vector<16xi32>,
      tpu.vector_store %arg7[%swap3A_153], %select_n3A_152 {strides = array<i32>} : memref<80xi32, #tpu.memory_space<vmem>>, vector<16xi32>,
      %add3A_155 = arith.constant 16 : i32
      %add3A_156 = arith.addi %add3A_136, %add3A_155 : i32
      %get3A_157 = arith.index_cast %add3A_156 : i32 to index
      %get3A_158 = tpu.vector_load %arg6[%get3A_157] {strides = array<i32>} : memref<10016xi32, #tpu.memory_space<vmem>>, vector<16xi32>,
      %add3A_159 = vector.broadcast %add3A_156 : i32 to vector<16xi32>
      %add3A_160 = arith.addi %add3A_159, %iota3A : vector<16xi32>
      %and3A_161 = arith.constant 63 : i32
      %and3A_162 = vector.broadcast %and3A_161 : i32 to vector<16xi32>
      %and3A_163 = arith.andi %add3A_160, %and3A_162 : vector<16xi32>
      %add3A_164 = arith.constant 5000 : i32
      %add3A_165 = vector.broadcast %add3A_164 : i32 to vector<16xi32>
      %add3A_166 = arith.addi %add3A_165, %and3A_163 : vector<16xi32>
      %ge3A_167 = arith.constant 0 : i32
      %ge3A_168 = vector.broadcast %ge3A_167 : i32 to vector<16xi32>
      %ge3A_169 = arith.cmpi sge, %get3A_158, %ge3A_168 : vector<16xi32>
      %select_n3A_170 = arith.select %ge3A_169, %get3A_158, %add3A_166 : vector<16xi1>, vector<16xi32>
      %swap3A_171 = arith.constant 16 : index
      %swap3A_172 = tpu.vector_load %arg7[%swap3A_171] {strides = array<i32>} : memref<80xi32, #tpu.memory_space<vmem>>, vector<16xi32>,
      tpu.vector_store %arg7[%swap3A_171], %select_n3A_170 {strides = array<i32>} : memref<80xi32, #tpu.memory_space<vmem>>, vector<16xi32>,
      %add3A_173 = arith.constant 32 : i32
      %add3A_174 = arith.addi %add3A_136, %add3A_173 : i32
      %get3A_175 = arith.index_cast %add3A_174 : i32 to index
      %get3A_176 = tpu.vector_load %arg6[%get3A_175] {strides = array<i32>} : memref<10016xi32, #tpu.memory_space<vmem>>, vector<16xi32>,
      %add3A_177 = vector.broadcast %add3A_174 : i32 to vector<16xi32>
      %add3A_178 = arith.addi %add3A_177, %iota3A : vector<16xi32>
      %and3A_179 = arith.constant 63 : i32
      %and3A_180 = vector.broadcast %and3A_179 : i32 to vector<16xi32>
      %and3A_181 = arith.andi %add3A_178, %and3A_180 : vector<16xi32>
      %add3A_182 = arith.constant 5000 : i32
      %add3A_183 = vector.broadcast %add3A_182 : i32 to vector<16xi32>
      %add3A_184 = arith.addi %add3A_183, %and3A_181 : vector<16xi32>
      %ge3A_185 = arith.constant 0 : i32
      %ge3A_186 = vector.broadcast %ge3A_185 : i32 to vector<16xi32>
      %ge3A_187 = arith.cmpi sge, %get3A_176, %ge3A_186 : vector<16xi32>
      %select_n3A_188 = arith.select %ge3A_187, %get3A_176, %add3A_184 : vector<16xi1>, vector<16xi32>
      %swap3A_189 = arith.constant 32 : index
      %swap3A_190 = tpu.vector_load %arg7[%swap3A_189] {strides = array<i32>} : memref<80xi32, #tpu.memory_space<vmem>>, vector<16xi32>,
      tpu.vector_store %arg7[%swap3A_189], %select_n3A_188 {strides = array<i32>} : memref<80xi32, #tpu.memory_space<vmem>>, vector<16xi32>,
      %add3A_191 = arith.constant 48 : i32
      %add3A_192 = arith.addi %add3A_136, %add3A_191 : i32
      %get3A_193 = arith.index_cast %add3A_192 : i32 to index
      %get3A_194 = tpu.vector_load %arg6[%get3A_193] {strides = array<i32>} : memref<10016xi32, #tpu.memory_space<vmem>>, vector<16xi32>,
      %add3A_195 = vector.broadcast %add3A_192 : i32 to vector<16xi32>
      %add3A_196 = arith.addi %add3A_195, %iota3A : vector<16xi32>
      %and3A_197 = arith.constant 63 : i32
      %and3A_198 = vector.broadcast %and3A_197 : i32 to vector<16xi32>
      %and3A_199 = arith.andi %add3A_196, %and3A_198 : vector<16xi32>
      %add3A_200 = arith.constant 5000 : i32
      %add3A_201 = vector.broadcast %add3A_200 : i32 to vector<16xi32>
      %add3A_202 = arith.addi %add3A_201, %and3A_199 : vector<16xi32>
      %ge3A_203 = arith.constant 0 : i32
      %ge3A_204 = vector.broadcast %ge3A_203 : i32 to vector<16xi32>
      %ge3A_205 = arith.cmpi sge, %get3A_194, %ge3A_204 : vector<16xi32>
      %select_n3A_206 = arith.select %ge3A_205, %get3A_194, %add3A_202 : vector<16xi1>, vector<16xi32>
      %swap3A_207 = arith.constant 48 : index
      %swap3A_208 = tpu.vector_load %arg7[%swap3A_207] {strides = array<i32>} : memref<80xi32, #tpu.memory_space<vmem>>, vector<16xi32>,
      tpu.vector_store %arg7[%swap3A_207], %select_n3A_206 {strides = array<i32>} : memref<80xi32, #tpu.memory_space<vmem>>, vector<16xi32>,
      %add3A_209 = arith.constant 64 : i32
      %add3A_210 = arith.addi %add3A_136, %add3A_209 : i32
      %get3A_211 = arith.index_cast %add3A_210 : i32 to index
      %get3A_212 = tpu.vector_load %arg6[%get3A_211] {strides = array<i32>} : memref<10016xi32, #tpu.memory_space<vmem>>, vector<16xi32>,
      %add3A_213 = vector.broadcast %add3A_210 : i32 to vector<16xi32>
      %add3A_214 = arith.addi %add3A_213, %iota3A : vector<16xi32>
      %and3A_215 = arith.constant 63 : i32
      %and3A_216 = vector.broadcast %and3A_215 : i32 to vector<16xi32>
      %and3A_217 = arith.andi %add3A_214, %and3A_216 : vector<16xi32>
      %add3A_218 = arith.constant 5000 : i32
      %add3A_219 = vector.broadcast %add3A_218 : i32 to vector<16xi32>
      %add3A_220 = arith.addi %add3A_219, %and3A_217 : vector<16xi32>
      %ge3A_221 = arith.constant 0 : i32
      %ge3A_222 = vector.broadcast %ge3A_221 : i32 to vector<16xi32>
      %ge3A_223 = arith.cmpi sge, %get3A_212, %ge3A_222 : vector<16xi32>
      %select_n3A_224 = arith.select %ge3A_223, %get3A_212, %add3A_220 : vector<16xi1>, vector<16xi32>
      %swap3A_225 = arith.constant 64 : index
      %swap3A_226 = tpu.vector_load %arg7[%swap3A_225] {strides = array<i32>} : memref<80xi32, #tpu.memory_space<vmem>>, vector<16xi32>,
      tpu.vector_store %arg7[%swap3A_225], %select_n3A_224 {strides = array<i32>} : memref<80xi32, #tpu.memory_space<vmem>>, vector<16xi32>,
      %dma_start3A_227 = arith.constant 0 : i32
      %dma_start3A_228 = arith.constant 0 : i32
      %dma_start3A_229 = tpu.memref_slice %arg2[%dma_start3A_227, %dma_start3A_228] : memref<5064x256xf32, #tpu.memory_space<hbm>> -> memref<5064x256xf32, #tpu.memory_space<hbm>>
      tpu.enqueue_indirect_dma source(%dma_start3A_229 : memref<5064x256xf32, #tpu.memory_space<hbm>>) target(%arg8 : memref<80x256xf32, #tpu.memory_space<vmem>>) offsets(%arg7 : memref<80xi32, #tpu.memory_space<vmem>>) semaphore(%arg9 : memref<!tpu.dma_semaphore, #tpu.memory_space<semaphore_mem>>)
      %dma_wait3A_230 = arith.constant 0 : i32
      %dma_wait3A_231 = arith.constant 0 : i32
      %dma_wait3A_232 = tpu.memref_slice %arg2[%dma_wait3A_230, %dma_wait3A_231] : memref<5064x256xf32, #tpu.memory_space<hbm>> -> memref<5064x256xf32, #tpu.memory_space<hbm>>
      tpu.wait_indirect_dma semaphore(%arg9 : memref<!tpu.dma_semaphore, #tpu.memory_space<semaphore_mem>>) src(%dma_wait3A_232 : memref<5064x256xf32, #tpu.memory_space<hbm>>) dst(%arg8 : memref<80x256xf32, #tpu.memory_space<vmem>>)
      "tpu.region"() ({
        %run_scoped3A = tpu.sem_alloc : memref<!tpu.dma_semaphore, #tpu.memory_space<semaphore_mem>>
        %dma_start3A_429 = arith.constant 0 : i32
        %dma_start3A_430 = arith.constant 0 : i32
        %dma_start3A_431 = tpu.memref_slice %arg8[%dma_start3A_429, %dma_start3A_430] : memref<80x256xf32, #tpu.memory_space<vmem>> -> memref<80x256xf32, #tpu.memory_space<vmem>>
        %dma_start3A_432 = arith.constant 0 : i32
        %dma_start3A_433 = tpu.memref_slice %arg4[%add3A_136, %dma_start3A_432] : memref<10000x256xf32, #tpu.memory_space<hbm>> -> memref<80x256xf32, #tpu.memory_space<hbm>>
        %dma_start3A_434 = arith.constant 0 : i32
        %dma_start3A_435 = tpu.memref_slice %arg4[%add3A_136, %dma_start3A_434] : memref<10000x256xf32, #tpu.memory_space<hbm>> -> memref<80x256xf32, #tpu.memory_space<hbm>>
        %dma_start3A_436 = arith.constant 0 : i32
        %dma_start3A_437 = arith.constant 0 : i32
        %dma_start3A_438 = tpu.memref_slice %arg8[%dma_start3A_436, %dma_start3A_437] : memref<80x256xf32, #tpu.memory_space<vmem>> -> memref<80x256xf32, #tpu.memory_space<vmem>>
        tpu.enqueue_dma source(%dma_start3A_438 : memref<80x256xf32, #tpu.memory_space<vmem>>) target(%dma_start3A_435 : memref<80x256xf32, #tpu.memory_space<hbm>>) target_semaphore(%run_scoped3A : memref<!tpu.dma_semaphore, #tpu.memory_space<semaphore_mem>>)
        %dma_wait3A_439 = arith.constant 0 : i32
        %dma_wait3A_440 = arith.constant 0 : i32
        %dma_wait3A_441 = tpu.memref_slice %arg8[%dma_wait3A_439, %dma_wait3A_440] : memref<80x256xf32, #tpu.memory_space<vmem>> -> memref<80x256xf32, #tpu.memory_space<vmem>>
        %dma_wait3A_442 = arith.constant 0 : i32
        %dma_wait3A_443 = tpu.memref_slice %arg4[%add3A_136, %dma_wait3A_442] : memref<10000x256xf32, #tpu.memory_space<hbm>> -> memref<80x256xf32, #tpu.memory_space<hbm>>
        %dma_wait3A_444 = arith.constant 0 : i32
        %dma_wait3A_445 = tpu.memref_slice %arg4[%add3A_136, %dma_wait3A_444] : memref<10000x256xf32, #tpu.memory_space<hbm>> -> memref<80x256xf32, #tpu.memory_space<hbm>>
        %dma_wait3A_446 = arith.constant 0 : i32
        %dma_wait3A_447 = arith.constant 0 : i32
        %dma_wait3A_448 = tpu.memref_slice %arg8[%dma_wait3A_446, %dma_wait3A_447] : memref<80x256xf32, #tpu.memory_space<vmem>> -> memref<80x256xf32, #tpu.memory_space<vmem>>
        tpu.wait_dma2 semaphore(%run_scoped3A : memref<!tpu.dma_semaphore, #tpu.memory_space<semaphore_mem>>) src(%dma_wait3A_448 : memref<80x256xf32, #tpu.memory_space<vmem>>) dst(%dma_wait3A_445 : memref<80x256xf32, #tpu.memory_space<hbm>>)
        tpu.yield
      }) : () -> ()
      %add3A_233 = arith.constant 160 : i32
      %add3A_234 = arith.addi %add3A_41, %add3A_233 : i32
      %add3A_235 = arith.constant 0 : i32
      %add3A_236 = arith.addi %add3A_234, %add3A_235 : i32
      %get3A_237 = arith.index_cast %add3A_236 : i32 to index
      %get3A_238 = tpu.vector_load %arg6[%get3A_237] {strides = array<i32>} : memref<10016xi32, #tpu.memory_space<vmem>>, vector<16xi32>,
      %add3A_239 = vector.broadcast %add3A_236 : i32 to vector<16xi32>
      %add3A_240 = arith.addi %add3A_239, %iota3A : vector<16xi32>
      %and3A_241 = arith.constant 63 : i32
      %and3A_242 = vector.broadcast %and3A_241 : i32 to vector<16xi32>
      %and3A_243 = arith.andi %add3A_240, %and3A_242 : vector<16xi32>
      %add3A_244 = arith.constant 5000 : i32
      %add3A_245 = vector.broadcast %add3A_244 : i32 to vector<16xi32>
      %add3A_246 = arith.addi %add3A_245, %and3A_243 : vector<16xi32>
      %ge3A_247 = arith.constant 0 : i32
      %ge3A_248 = vector.broadcast %ge3A_247 : i32 to vector<16xi32>
      %ge3A_249 = arith.cmpi sge, %get3A_238, %ge3A_248 : vector<16xi32>
      %select_n3A_250 = arith.select %ge3A_249, %get3A_238, %add3A_246 : vector<16xi1>, vector<16xi32>
      %swap3A_251 = arith.constant 0 : index
      %swap3A_252 = tpu.vector_load %arg7[%swap3A_251] {strides = array<i32>} : memref<80xi32, #tpu.memory_space<vmem>>, vector<16xi32>,
      tpu.vector_store %arg7[%swap3A_251], %select_n3A_250 {strides = array<i32>} : memref<80xi32, #tpu.memory_space<vmem>>, vector<16xi32>,
      %add3A_253 = arith.constant 16 : i32
      %add3A_254 = arith.addi %add3A_234, %add3A_253 : i32
      %get3A_255 = arith.index_cast %add3A_254 : i32 to index
      %get3A_256 = tpu.vector_load %arg6[%get3A_255] {strides = array<i32>} : memref<10016xi32, #tpu.memory_space<vmem>>, vector<16xi32>,
      %add3A_257 = vector.broadcast %add3A_254 : i32 to vector<16xi32>
      %add3A_258 = arith.addi %add3A_257, %iota3A : vector<16xi32>
      %and3A_259 = arith.constant 63 : i32
      %and3A_260 = vector.broadcast %and3A_259 : i32 to vector<16xi32>
      %and3A_261 = arith.andi %add3A_258, %and3A_260 : vector<16xi32>
      %add3A_262 = arith.constant 5000 : i32
      %add3A_263 = vector.broadcast %add3A_262 : i32 to vector<16xi32>
      %add3A_264 = arith.addi %add3A_263, %and3A_261 : vector<16xi32>
      %ge3A_265 = arith.constant 0 : i32
      %ge3A_266 = vector.broadcast %ge3A_265 : i32 to vector<16xi32>
      %ge3A_267 = arith.cmpi sge, %get3A_256, %ge3A_266 : vector<16xi32>
      %select_n3A_268 = arith.select %ge3A_267, %get3A_256, %add3A_264 : vector<16xi1>, vector<16xi32>
      %swap3A_269 = arith.constant 16 : index
      %swap3A_270 = tpu.vector_load %arg7[%swap3A_269] {strides = array<i32>} : memref<80xi32, #tpu.memory_space<vmem>>, vector<16xi32>,
      tpu.vector_store %arg7[%swap3A_269], %select_n3A_268 {strides = array<i32>} : memref<80xi32, #tpu.memory_space<vmem>>, vector<16xi32>,
      %add3A_271 = arith.constant 32 : i32
      %add3A_272 = arith.addi %add3A_234, %add3A_271 : i32
      %get3A_273 = arith.index_cast %add3A_272 : i32 to index
      %get3A_274 = tpu.vector_load %arg6[%get3A_273] {strides = array<i32>} : memref<10016xi32, #tpu.memory_space<vmem>>, vector<16xi32>,
      %add3A_275 = vector.broadcast %add3A_272 : i32 to vector<16xi32>
      %add3A_276 = arith.addi %add3A_275, %iota3A : vector<16xi32>
      %and3A_277 = arith.constant 63 : i32
      %and3A_278 = vector.broadcast %and3A_277 : i32 to vector<16xi32>
      %and3A_279 = arith.andi %add3A_276, %and3A_278 : vector<16xi32>
      %add3A_280 = arith.constant 5000 : i32
      %add3A_281 = vector.broadcast %add3A_280 : i32 to vector<16xi32>
      %add3A_282 = arith.addi %add3A_281, %and3A_279 : vector<16xi32>
      %ge3A_283 = arith.constant 0 : i32
      %ge3A_284 = vector.broadcast %ge3A_283 : i32 to vector<16xi32>
      %ge3A_285 = arith.cmpi sge, %get3A_274, %ge3A_284 : vector<16xi32>
      %select_n3A_286 = arith.select %ge3A_285, %get3A_274, %add3A_282 : vector<16xi1>, vector<16xi32>
      %swap3A_287 = arith.constant 32 : index
      %swap3A_288 = tpu.vector_load %arg7[%swap3A_287] {strides = array<i32>} : memref<80xi32, #tpu.memory_space<vmem>>, vector<16xi32>,
      tpu.vector_store %arg7[%swap3A_287], %select_n3A_286 {strides = array<i32>} : memref<80xi32, #tpu.memory_space<vmem>>, vector<16xi32>,
      %add3A_289 = arith.constant 48 : i32
      %add3A_290 = arith.addi %add3A_234, %add3A_289 : i32
      %get3A_291 = arith.index_cast %add3A_290 : i32 to index
      %get3A_292 = tpu.vector_load %arg6[%get3A_291] {strides = array<i32>} : memref<10016xi32, #tpu.memory_space<vmem>>, vector<16xi32>,
      %add3A_293 = vector.broadcast %add3A_290 : i32 to vector<16xi32>
      %add3A_294 = arith.addi %add3A_293, %iota3A : vector<16xi32>
      %and3A_295 = arith.constant 63 : i32
      %and3A_296 = vector.broadcast %and3A_295 : i32 to vector<16xi32>
      %and3A_297 = arith.andi %add3A_294, %and3A_296 : vector<16xi32>
      %add3A_298 = arith.constant 5000 : i32
      %add3A_299 = vector.broadcast %add3A_298 : i32 to vector<16xi32>
      %add3A_300 = arith.addi %add3A_299, %and3A_297 : vector<16xi32>
      %ge3A_301 = arith.constant 0 : i32
      %ge3A_302 = vector.broadcast %ge3A_301 : i32 to vector<16xi32>
      %ge3A_303 = arith.cmpi sge, %get3A_292, %ge3A_302 : vector<16xi32>
      %select_n3A_304 = arith.select %ge3A_303, %get3A_292, %add3A_300 : vector<16xi1>, vector<16xi32>
      %swap3A_305 = arith.constant 48 : index
      %swap3A_306 = tpu.vector_load %arg7[%swap3A_305] {strides = array<i32>} : memref<80xi32, #tpu.memory_space<vmem>>, vector<16xi32>,
      tpu.vector_store %arg7[%swap3A_305], %select_n3A_304 {strides = array<i32>} : memref<80xi32, #tpu.memory_space<vmem>>, vector<16xi32>,
      %add3A_307 = arith.constant 64 : i32
      %add3A_308 = arith.addi %add3A_234, %add3A_307 : i32
      %get3A_309 = arith.index_cast %add3A_308 : i32 to index
      %get3A_310 = tpu.vector_load %arg6[%get3A_309] {strides = array<i32>} : memref<10016xi32, #tpu.memory_space<vmem>>, vector<16xi32>,
      %add3A_311 = vector.broadcast %add3A_308 : i32 to vector<16xi32>
      %add3A_312 = arith.addi %add3A_311, %iota3A : vector<16xi32>
      %and3A_313 = arith.constant 63 : i32
      %and3A_314 = vector.broadcast %and3A_313 : i32 to vector<16xi32>
      %and3A_315 = arith.andi %add3A_312, %and3A_314 : vector<16xi32>
      %add3A_316 = arith.constant 5000 : i32
      %add3A_317 = vector.broadcast %add3A_316 : i32 to vector<16xi32>
      %add3A_318 = arith.addi %add3A_317, %and3A_315 : vector<16xi32>
      %ge3A_319 = arith.constant 0 : i32
      %ge3A_320 = vector.broadcast %ge3A_319 : i32 to vector<16xi32>
      %ge3A_321 = arith.cmpi sge, %get3A_310, %ge3A_320 : vector<16xi32>
      %select_n3A_322 = arith.select %ge3A_321, %get3A_310, %add3A_318 : vector<16xi1>, vector<16xi32>
      %swap3A_323 = arith.constant 64 : index
      %swap3A_324 = tpu.vector_load %arg7[%swap3A_323] {strides = array<i32>} : memref<80xi32, #tpu.memory_space<vmem>>, vector<16xi32>,
      tpu.vector_store %arg7[%swap3A_323], %select_n3A_322 {strides = array<i32>} : memref<80xi32, #tpu.memory_space<vmem>>, vector<16xi32>,
      %dma_start3A_325 = arith.constant 0 : i32
      %dma_start3A_326 = arith.constant 0 : i32
      %dma_start3A_327 = tpu.memref_slice %arg2[%dma_start3A_325, %dma_start3A_326] : memref<5064x256xf32, #tpu.memory_space<hbm>> -> memref<5064x256xf32, #tpu.memory_space<hbm>>
      tpu.enqueue_indirect_dma source(%dma_start3A_327 : memref<5064x256xf32, #tpu.memory_space<hbm>>) target(%arg8 : memref<80x256xf32, #tpu.memory_space<vmem>>) offsets(%arg7 : memref<80xi32, #tpu.memory_space<vmem>>) semaphore(%arg9 : memref<!tpu.dma_semaphore, #tpu.memory_space<semaphore_mem>>)
      %dma_wait3A_328 = arith.constant 0 : i32
      %dma_wait3A_329 = arith.constant 0 : i32
      %dma_wait3A_330 = tpu.memref_slice %arg2[%dma_wait3A_328, %dma_wait3A_329] : memref<5064x256xf32, #tpu.memory_space<hbm>> -> memref<5064x256xf32, #tpu.memory_space<hbm>>
      tpu.wait_indirect_dma semaphore(%arg9 : memref<!tpu.dma_semaphore, #tpu.memory_space<semaphore_mem>>) src(%dma_wait3A_330 : memref<5064x256xf32, #tpu.memory_space<hbm>>) dst(%arg8 : memref<80x256xf32, #tpu.memory_space<vmem>>)
      "tpu.region"() ({
        %run_scoped3A = tpu.sem_alloc : memref<!tpu.dma_semaphore, #tpu.memory_space<semaphore_mem>>
        %dma_start3A_429 = arith.constant 0 : i32
        %dma_start3A_430 = arith.constant 0 : i32
        %dma_start3A_431 = tpu.memref_slice %arg8[%dma_start3A_429, %dma_start3A_430] : memref<80x256xf32, #tpu.memory_space<vmem>> -> memref<80x256xf32, #tpu.memory_space<vmem>>
        %dma_start3A_432 = arith.constant 0 : i32
        %dma_start3A_433 = tpu.memref_slice %arg4[%add3A_234, %dma_start3A_432] : memref<10000x256xf32, #tpu.memory_space<hbm>> -> memref<80x256xf32, #tpu.memory_space<hbm>>
        %dma_start3A_434 = arith.constant 0 : i32
        %dma_start3A_435 = tpu.memref_slice %arg4[%add3A_234, %dma_start3A_434] : memref<10000x256xf32, #tpu.memory_space<hbm>> -> memref<80x256xf32, #tpu.memory_space<hbm>>
        %dma_start3A_436 = arith.constant 0 : i32
        %dma_start3A_437 = arith.constant 0 : i32
        %dma_start3A_438 = tpu.memref_slice %arg8[%dma_start3A_436, %dma_start3A_437] : memref<80x256xf32, #tpu.memory_space<vmem>> -> memref<80x256xf32, #tpu.memory_space<vmem>>
        tpu.enqueue_dma source(%dma_start3A_438 : memref<80x256xf32, #tpu.memory_space<vmem>>) target(%dma_start3A_435 : memref<80x256xf32, #tpu.memory_space<hbm>>) target_semaphore(%run_scoped3A : memref<!tpu.dma_semaphore, #tpu.memory_space<semaphore_mem>>)
        %dma_wait3A_439 = arith.constant 0 : i32
        %dma_wait3A_440 = arith.constant 0 : i32
        %dma_wait3A_441 = tpu.memref_slice %arg8[%dma_wait3A_439, %dma_wait3A_440] : memref<80x256xf32, #tpu.memory_space<vmem>> -> memref<80x256xf32, #tpu.memory_space<vmem>>
        %dma_wait3A_442 = arith.constant 0 : i32
        %dma_wait3A_443 = tpu.memref_slice %arg4[%add3A_234, %dma_wait3A_442] : memref<10000x256xf32, #tpu.memory_space<hbm>> -> memref<80x256xf32, #tpu.memory_space<hbm>>
        %dma_wait3A_444 = arith.constant 0 : i32
        %dma_wait3A_445 = tpu.memref_slice %arg4[%add3A_234, %dma_wait3A_444] : memref<10000x256xf32, #tpu.memory_space<hbm>> -> memref<80x256xf32, #tpu.memory_space<hbm>>
        %dma_wait3A_446 = arith.constant 0 : i32
        %dma_wait3A_447 = arith.constant 0 : i32
        %dma_wait3A_448 = tpu.memref_slice %arg8[%dma_wait3A_446, %dma_wait3A_447] : memref<80x256xf32, #tpu.memory_space<vmem>> -> memref<80x256xf32, #tpu.memory_space<vmem>>
        tpu.wait_dma2 semaphore(%run_scoped3A : memref<!tpu.dma_semaphore, #tpu.memory_space<semaphore_mem>>) src(%dma_wait3A_448 : memref<80x256xf32, #tpu.memory_space<vmem>>) dst(%dma_wait3A_445 : memref<80x256xf32, #tpu.memory_space<hbm>>)
        tpu.yield
      }) : () -> ()
      %add3A_331 = arith.constant 240 : i32
      %add3A_332 = arith.addi %add3A_41, %add3A_331 : i32
      %add3A_333 = arith.constant 0 : i32
      %add3A_334 = arith.addi %add3A_332, %add3A_333 : i32
      %get3A_335 = arith.index_cast %add3A_334 : i32 to index
      %get3A_336 = tpu.vector_load %arg6[%get3A_335] {strides = array<i32>} : memref<10016xi32, #tpu.memory_space<vmem>>, vector<16xi32>,
      %add3A_337 = vector.broadcast %add3A_334 : i32 to vector<16xi32>
      %add3A_338 = arith.addi %add3A_337, %iota3A : vector<16xi32>
      %and3A_339 = arith.constant 63 : i32
      %and3A_340 = vector.broadcast %and3A_339 : i32 to vector<16xi32>
      %and3A_341 = arith.andi %add3A_338, %and3A_340 : vector<16xi32>
      %add3A_342 = arith.constant 5000 : i32
      %add3A_343 = vector.broadcast %add3A_342 : i32 to vector<16xi32>
      %add3A_344 = arith.addi %add3A_343, %and3A_341 : vector<16xi32>
      %ge3A_345 = arith.constant 0 : i32
      %ge3A_346 = vector.broadcast %ge3A_345 : i32 to vector<16xi32>
      %ge3A_347 = arith.cmpi sge, %get3A_336, %ge3A_346 : vector<16xi32>
      %select_n3A_348 = arith.select %ge3A_347, %get3A_336, %add3A_344 : vector<16xi1>, vector<16xi32>
      %swap3A_349 = arith.constant 0 : index
      %swap3A_350 = tpu.vector_load %arg7[%swap3A_349] {strides = array<i32>} : memref<80xi32, #tpu.memory_space<vmem>>, vector<16xi32>,
      tpu.vector_store %arg7[%swap3A_349], %select_n3A_348 {strides = array<i32>} : memref<80xi32, #tpu.memory_space<vmem>>, vector<16xi32>,
      %add3A_351 = arith.constant 16 : i32
      %add3A_352 = arith.addi %add3A_332, %add3A_351 : i32
      %get3A_353 = arith.index_cast %add3A_352 : i32 to index
      %get3A_354 = tpu.vector_load %arg6[%get3A_353] {strides = array<i32>} : memref<10016xi32, #tpu.memory_space<vmem>>, vector<16xi32>,
      %add3A_355 = vector.broadcast %add3A_352 : i32 to vector<16xi32>
      %add3A_356 = arith.addi %add3A_355, %iota3A : vector<16xi32>
      %and3A_357 = arith.constant 63 : i32
      %and3A_358 = vector.broadcast %and3A_357 : i32 to vector<16xi32>
      %and3A_359 = arith.andi %add3A_356, %and3A_358 : vector<16xi32>
      %add3A_360 = arith.constant 5000 : i32
      %add3A_361 = vector.broadcast %add3A_360 : i32 to vector<16xi32>
      %add3A_362 = arith.addi %add3A_361, %and3A_359 : vector<16xi32>
      %ge3A_363 = arith.constant 0 : i32
      %ge3A_364 = vector.broadcast %ge3A_363 : i32 to vector<16xi32>
      %ge3A_365 = arith.cmpi sge, %get3A_354, %ge3A_364 : vector<16xi32>
      %select_n3A_366 = arith.select %ge3A_365, %get3A_354, %add3A_362 : vector<16xi1>, vector<16xi32>
      %swap3A_367 = arith.constant 16 : index
      %swap3A_368 = tpu.vector_load %arg7[%swap3A_367] {strides = array<i32>} : memref<80xi32, #tpu.memory_space<vmem>>, vector<16xi32>,
      tpu.vector_store %arg7[%swap3A_367], %select_n3A_366 {strides = array<i32>} : memref<80xi32, #tpu.memory_space<vmem>>, vector<16xi32>,
      %add3A_369 = arith.constant 32 : i32
      %add3A_370 = arith.addi %add3A_332, %add3A_369 : i32
      %get3A_371 = arith.index_cast %add3A_370 : i32 to index
      %get3A_372 = tpu.vector_load %arg6[%get3A_371] {strides = array<i32>} : memref<10016xi32, #tpu.memory_space<vmem>>, vector<16xi32>,
      %add3A_373 = vector.broadcast %add3A_370 : i32 to vector<16xi32>
      %add3A_374 = arith.addi %add3A_373, %iota3A : vector<16xi32>
      %and3A_375 = arith.constant 63 : i32
      %and3A_376 = vector.broadcast %and3A_375 : i32 to vector<16xi32>
      %and3A_377 = arith.andi %add3A_374, %and3A_376 : vector<16xi32>
      %add3A_378 = arith.constant 5000 : i32
      %add3A_379 = vector.broadcast %add3A_378 : i32 to vector<16xi32>
      %add3A_380 = arith.addi %add3A_379, %and3A_377 : vector<16xi32>
      %ge3A_381 = arith.constant 0 : i32
      %ge3A_382 = vector.broadcast %ge3A_381 : i32 to vector<16xi32>
      %ge3A_383 = arith.cmpi sge, %get3A_372, %ge3A_382 : vector<16xi32>
      %select_n3A_384 = arith.select %ge3A_383, %get3A_372, %add3A_380 : vector<16xi1>, vector<16xi32>
      %swap3A_385 = arith.constant 32 : index
      %swap3A_386 = tpu.vector_load %arg7[%swap3A_385] {strides = array<i32>} : memref<80xi32, #tpu.memory_space<vmem>>, vector<16xi32>,
      tpu.vector_store %arg7[%swap3A_385], %select_n3A_384 {strides = array<i32>} : memref<80xi32, #tpu.memory_space<vmem>>, vector<16xi32>,
      %add3A_387 = arith.constant 48 : i32
      %add3A_388 = arith.addi %add3A_332, %add3A_387 : i32
      %get3A_389 = arith.index_cast %add3A_388 : i32 to index
      %get3A_390 = tpu.vector_load %arg6[%get3A_389] {strides = array<i32>} : memref<10016xi32, #tpu.memory_space<vmem>>, vector<16xi32>,
      %add3A_391 = vector.broadcast %add3A_388 : i32 to vector<16xi32>
      %add3A_392 = arith.addi %add3A_391, %iota3A : vector<16xi32>
      %and3A_393 = arith.constant 63 : i32
      %and3A_394 = vector.broadcast %and3A_393 : i32 to vector<16xi32>
      %and3A_395 = arith.andi %add3A_392, %and3A_394 : vector<16xi32>
      %add3A_396 = arith.constant 5000 : i32
      %add3A_397 = vector.broadcast %add3A_396 : i32 to vector<16xi32>
      %add3A_398 = arith.addi %add3A_397, %and3A_395 : vector<16xi32>
      %ge3A_399 = arith.constant 0 : i32
      %ge3A_400 = vector.broadcast %ge3A_399 : i32 to vector<16xi32>
      %ge3A_401 = arith.cmpi sge, %get3A_390, %ge3A_400 : vector<16xi32>
      %select_n3A_402 = arith.select %ge3A_401, %get3A_390, %add3A_398 : vector<16xi1>, vector<16xi32>
      %swap3A_403 = arith.constant 48 : index
      %swap3A_404 = tpu.vector_load %arg7[%swap3A_403] {strides = array<i32>} : memref<80xi32, #tpu.memory_space<vmem>>, vector<16xi32>,
      tpu.vector_store %arg7[%swap3A_403], %select_n3A_402 {strides = array<i32>} : memref<80xi32, #tpu.memory_space<vmem>>, vector<16xi32>,
      %add3A_405 = arith.constant 64 : i32
      %add3A_406 = arith.addi %add3A_332, %add3A_405 : i32
      %get3A_407 = arith.index_cast %add3A_406 : i32 to index
      %get3A_408 = tpu.vector_load %arg6[%get3A_407] {strides = array<i32>} : memref<10016xi32, #tpu.memory_space<vmem>>, vector<16xi32>,
      %add3A_409 = vector.broadcast %add3A_406 : i32 to vector<16xi32>
      %add3A_410 = arith.addi %add3A_409, %iota3A : vector<16xi32>
      %and3A_411 = arith.constant 63 : i32
      %and3A_412 = vector.broadcast %and3A_411 : i32 to vector<16xi32>
      %and3A_413 = arith.andi %add3A_410, %and3A_412 : vector<16xi32>
      %add3A_414 = arith.constant 5000 : i32
      %add3A_415 = vector.broadcast %add3A_414 : i32 to vector<16xi32>
      %add3A_416 = arith.addi %add3A_415, %and3A_413 : vector<16xi32>
      %ge3A_417 = arith.constant 0 : i32
      %ge3A_418 = vector.broadcast %ge3A_417 : i32 to vector<16xi32>
      %ge3A_419 = arith.cmpi sge, %get3A_408, %ge3A_418 : vector<16xi32>
      %select_n3A_420 = arith.select %ge3A_419, %get3A_408, %add3A_416 : vector<16xi1>, vector<16xi32>
      %swap3A_421 = arith.constant 64 : index
      %swap3A_422 = tpu.vector_load %arg7[%swap3A_421] {strides = array<i32>} : memref<80xi32, #tpu.memory_space<vmem>>, vector<16xi32>,
      tpu.vector_store %arg7[%swap3A_421], %select_n3A_420 {strides = array<i32>} : memref<80xi32, #tpu.memory_space<vmem>>, vector<16xi32>,
      %dma_start3A_423 = arith.constant 0 : i32
      %dma_start3A_424 = arith.constant 0 : i32
      %dma_start3A_425 = tpu.memref_slice %arg2[%dma_start3A_423, %dma_start3A_424] : memref<5064x256xf32, #tpu.memory_space<hbm>> -> memref<5064x256xf32, #tpu.memory_space<hbm>>
      tpu.enqueue_indirect_dma source(%dma_start3A_425 : memref<5064x256xf32, #tpu.memory_space<hbm>>) target(%arg8 : memref<80x256xf32, #tpu.memory_space<vmem>>) offsets(%arg7 : memref<80xi32, #tpu.memory_space<vmem>>) semaphore(%arg9 : memref<!tpu.dma_semaphore, #tpu.memory_space<semaphore_mem>>)
      %dma_wait3A_426 = arith.constant 0 : i32
      %dma_wait3A_427 = arith.constant 0 : i32
      %dma_wait3A_428 = tpu.memref_slice %arg2[%dma_wait3A_426, %dma_wait3A_427] : memref<5064x256xf32, #tpu.memory_space<hbm>> -> memref<5064x256xf32, #tpu.memory_space<hbm>>
      tpu.wait_indirect_dma semaphore(%arg9 : memref<!tpu.dma_semaphore, #tpu.memory_space<semaphore_mem>>) src(%dma_wait3A_428 : memref<5064x256xf32, #tpu.memory_space<hbm>>) dst(%arg8 : memref<80x256xf32, #tpu.memory_space<vmem>>)
      "tpu.region"() ({
        %run_scoped3A = tpu.sem_alloc : memref<!tpu.dma_semaphore, #tpu.memory_space<semaphore_mem>>
        %dma_start3A_429 = arith.constant 0 : i32
        %dma_start3A_430 = arith.constant 0 : i32
        %dma_start3A_431 = tpu.memref_slice %arg8[%dma_start3A_429, %dma_start3A_430] : memref<80x256xf32, #tpu.memory_space<vmem>> -> memref<72x256xf32, #tpu.memory_space<vmem>>
        %dma_start3A_432 = arith.constant 0 : i32
        %dma_start3A_433 = tpu.memref_slice %arg4[%add3A_332, %dma_start3A_432] : memref<10000x256xf32, #tpu.memory_space<hbm>> -> memref<72x256xf32, #tpu.memory_space<hbm>>
        %dma_start3A_434 = arith.constant 0 : i32
        %dma_start3A_435 = tpu.memref_slice %arg4[%add3A_332, %dma_start3A_434] : memref<10000x256xf32, #tpu.memory_space<hbm>> -> memref<72x256xf32, #tpu.memory_space<hbm>>
        %dma_start3A_436 = arith.constant 0 : i32
        %dma_start3A_437 = arith.constant 0 : i32
        %dma_start3A_438 = tpu.memref_slice %arg8[%dma_start3A_436, %dma_start3A_437] : memref<80x256xf32, #tpu.memory_space<vmem>> -> memref<72x256xf32, #tpu.memory_space<vmem>>
        tpu.enqueue_dma source(%dma_start3A_438 : memref<72x256xf32, #tpu.memory_space<vmem>>) target(%dma_start3A_435 : memref<72x256xf32, #tpu.memory_space<hbm>>) target_semaphore(%run_scoped3A : memref<!tpu.dma_semaphore, #tpu.memory_space<semaphore_mem>>)
        %dma_wait3A_439 = arith.constant 0 : i32
        %dma_wait3A_440 = arith.constant 0 : i32
        %dma_wait3A_441 = tpu.memref_slice %arg8[%dma_wait3A_439, %dma_wait3A_440] : memref<80x256xf32, #tpu.memory_space<vmem>> -> memref<72x256xf32, #tpu.memory_space<vmem>>
        %dma_wait3A_442 = arith.constant 0 : i32
        %dma_wait3A_443 = tpu.memref_slice %arg4[%add3A_332, %dma_wait3A_442] : memref<10000x256xf32, #tpu.memory_space<hbm>> -> memref<72x256xf32, #tpu.memory_space<hbm>>
        %dma_wait3A_444 = arith.constant 0 : i32
        %dma_wait3A_445 = tpu.memref_slice %arg4[%add3A_332, %dma_wait3A_444] : memref<10000x256xf32, #tpu.memory_space<hbm>> -> memref<72x256xf32, #tpu.memory_space<hbm>>
        %dma_wait3A_446 = arith.constant 0 : i32
        %dma_wait3A_447 = arith.constant 0 : i32
        %dma_wait3A_448 = tpu.memref_slice %arg8[%dma_wait3A_446, %dma_wait3A_447] : memref<80x256xf32, #tpu.memory_space<vmem>> -> memref<72x256xf32, #tpu.memory_space<vmem>>
        tpu.wait_dma2 semaphore(%run_scoped3A : memref<!tpu.dma_semaphore, #tpu.memory_space<semaphore_mem>>) src(%dma_wait3A_448 : memref<72x256xf32, #tpu.memory_space<vmem>>) dst(%dma_wait3A_445 : memref<72x256xf32, #tpu.memory_space<hbm>>)
        tpu.yield
      }) : () -> ()
    } else {
    }
    return
  }
}

</mosaic_0001>

<sc_bundles>
// kernel: kernel.3.cloned.1.call-start
scs
__scs_entry_jumppad:
0x0: {  	(pc) =	sbr.rel $0x88, $3  }
0x1: {  	(tag) =	ssettag $0x0;
	lr =	simm.s32 $0x1  }
0x2: {  	[smem:$0x3F9E] =	sst lr;
	_ =	strace $0xD0000000  }
0x3: {  	_ = 	snop  }
0x4: {  	_ = 	snop  }
0x5: {  	_ = 	snop  }
0x6: {  	_ = 	snop  }
0x7: {  	_ = 	snop  }
__scs_overlays_trampoline_lowered:
0x8: {  	[smem:$0x3FAD] =	sst s0  }
0x9: {  	[smem:$0x3FAE] =	sst s1  }
0xa: {  	[smem:$0x3FAF] =	sst s2  }
0xb: {  	[smem:$0x3FB0] =	sst s3  }
0xc: {  	[smem:$0x3FB1] =	sst s4  }
0xd: {  	[smem:$0x3FB2] =	sst s5  }
0xe: {  	[smem:$0x3FB3] =	sst s6  }
0xf: {  	[smem:$0x3FB4] =	sst s7  }
0x10: {  	[smem:$0x3FB5] =	sst s8  }
0x11: {  	[smem:$0x3FB6] =	sst s9;
	s0 =	simm.s32 @!p0 $0x0  }
0x12: {  	s1 =	sld [smem:$0x3F9C];
	s0 =	simm.s32 @p0 $0x1  }
0x13: {  	[smem:$0x3FB7] =	sst s0;
	s0 =	simm.s32 @!p1 $0x0  }
0x14: {  	s2 =	sld [smem:$0x3F9B];
	s0 =	simm.s32 @p1 $0x1  }
0x15: {  	[smem:$0x3FB8] =	sst s0;
	s0 =	simm.s32 @!p2 $0x0  }
0x16: {  	s3 =	sld [smem:$0x3FDB];
	s0 =	simm.s32 @p2 $0x1  }
0x17: {  	s4 =	simm.s32 $0x1BF5;
	[smem:$0x3FBA] =	sst s0  }
0x18: {  	s0 =	sld [smem:$0x3F9D];
	_ =	swait.ge [sflag:s4], $0x0  }
0x19: {  	s7 =	sld [smem:$0x3F9E]  }
0x1a: {  	s8 =	sadd.s32 $0xFFFFE003, lr  }
0x1b: {  	s9 =	sadd.s32 $0xFFFFFEF7, lr;
	s5 =	simm.s32 $0xFFFFFFFF;
	p2 =	slt.u32 s8, $0xFFFFF086  }
0x1c: {  	p1 =	slt.u32 s9, $0xF7A;
	s5 =	simm.s32 @!p2 $0x0  }
0x1d: {  	s5 =	simm.s32 @p1 $0x1;
	p0 =	seq.s32 s7, s2  }
0x1e: {  	s7 =	smul.u32 @!p0 $0xF7A, s2;
	p2 =	seq.s32 @!p0 s5, $0x0  }
0x1f: {  	s9 =	smul.u32 $0xF7A, s1;
	s8 =	simm.s32 @!p0 $0x1BF5;
	p2 =	por !p2, p0  }
0x20: {  	[sflag:s8] =	ssyncset.s32 @!p0 $0xFFFFF086;
	s6 =	sadd.s32 @!p0 s3, s7;
	s7 =	simm.s32 @!p0 $0x108  }
0x21: {  	s3 =	sadd.s32 s3, s9;
	s6 =	sadd.s32 @!p0 $0x88, s6;
	s7 =	simm.s32 @p2 $0x1082  }
0x22: {  	[simem:s7], [sflag:s8] =	dma.local @!p0 [hbm:s6], $0xF7A  }
0x23: {  	s9 =	sor.u32 $0xD0000000, s2;
	s6 =	simm.s32 $0x108;
	_ =	swait.ge @!p0 [sflag:s8], $0x0  }
0x24: {  	s3 =	sadd.s32 $0x88, s3;
	s6 =	simm.s32 @!p1 $0x1082;
	[sflag:s4] =	ssyncset.s32 $0xFFFFF086  }
0x25: {  	[simem:s6], [sflag:s4] =	dma.local [hbm:s3], $0xF7A  }
0x26: {  	[smem:$0x3F9E] =	sst s1;
	(tag) =	ssettag s2;
	_ =	strace s9  }
0x27: {  	s1 =	sld [smem:$0x3FAE]  }
0x28: {  	s2 =	sld [smem:$0x3FAF]  }
0x29: {  	s4 =	sld [smem:$0x3FB1]  }
0x2a: {  	p0 =	seq.s32 s5, $0x0;
	s5 =	sld [smem:$0x3FB2]  }
0x2b: {  	s6 =	sld [smem:$0x3FB3]  }
0x2c: {  	s7 =	sld [smem:$0x3FB4]  }
0x2d: {  	s3 =	simm.s32 $0x108;
	s8 =	sld [smem:$0x3FB5]  }
0x2e: {  	s3 =	simm.s32 @!p0 $0x1082;
	s9 =	sld [smem:$0x3FB6]  }
0x2f: {  	lr =	sadd.s32 s0, s3;
	s0 =	sld [smem:$0x3FAD]  }
0x30: {  	s3 =	sld [smem:$0x3FB0]  }
0x31: {  	[smem:$0x3FB9] =	sst s10  }
0x32: {  	s10 =	sld [smem:$0x3FB7];
	_ =	sdelay $0x3  }
0x33: {  	p0 =	seq.s32 s10, $0x1;
	s10 =	sld [smem:$0x3FB9];
	_ =	sdelay $0x3  }
0x34: {  	[smem:$0x3FB9] =	sst s10  }
0x35: {  	s10 =	sld [smem:$0x3FB8];
	_ =	sdelay $0x3  }
0x36: {  	p1 =	seq.s32 s10, $0x1;
	s10 =	sld [smem:$0x3FB9];
	_ =	sdelay $0x3  }
0x37: {  	[smem:$0x3FB9] =	sst s10  }
0x38: {  	s10 =	sld [smem:$0x3FBA]  }
0x39: {  	_ = 	snop;
	(pc) =	sbr.ind lr, $3  }
0x3a: {  	_ = 	snop  }
0x3b: {  	_ = 	snop  }
0x3c: {  	p2 =	seq.s32 s10, $0x1;
	s10 =	sld [smem:$0x3FB9]  }
0x3d: {  	_ =	shalt  }
0x3e: {  	_ =	shalt  }
0x3f: {  	_ =	shalt  }
0x40: {  	_ =	shalt  }
0x41: {  	_ =	shalt  }
0x42: {  	_ =	shalt  }
0x43: {  	_ =	shalt  }
0x44: {  	_ =	shalt  }
0x45: {  	_ =	shalt  }
0x46: {  	_ =	shalt  }
0x47: {  	_ =	shalt  }
0x48: {  	_ =	shalt  }
0x49: {  	_ =	shalt  }
0x4a: {  	_ =	shalt  }
0x4b: {  	_ =	shalt  }
0x4c: {  	_ =	shalt  }
0x4d: {  	_ =	shalt  }
0x4e: {  	_ =	shalt  }
0x4f: {  	_ =	shalt  }
0x50: {  	_ =	shalt  }
0x51: {  	_ =	shalt  }
0x52: {  	_ =	shalt  }
0x53: {  	_ =	shalt  }
0x54: {  	_ =	shalt  }
0x55: {  	_ =	shalt  }
0x56: {  	_ =	shalt  }
0x57: {  	_ =	shalt  }
0x58: {  	_ =	shalt  }
0x59: {  	_ =	shalt  }
0x5a: {  	_ =	shalt  }
0x5b: {  	_ =	shalt  }
0x5c: {  	_ =	shalt  }
0x5d: {  	_ =	shalt  }
0x5e: {  	_ =	shalt  }
0x5f: {  	_ =	shalt  }
0x60: {  	_ =	shalt  }
0x61: {  	_ =	shalt  }
0x62: {  	_ =	shalt  }
0x63: {  	_ =	shalt  }
0x64: {  	_ =	shalt  }
0x65: {  	_ =	shalt  }
0x66: {  	_ =	shalt  }
0x67: {  	_ =	shalt  }
0x68: {  	_ =	shalt  }
0x69: {  	_ =	shalt  }
0x6a: {  	_ =	shalt  }
0x6b: {  	_ =	shalt  }
0x6c: {  	_ =	shalt  }
0x6d: {  	_ =	shalt  }
0x6e: {  	_ =	shalt  }
0x6f: {  	_ =	shalt  }
0x70: {  	_ =	shalt  }
0x71: {  	_ =	shalt  }
0x72: {  	_ =	shalt  }
0x73: {  	_ =	shalt  }
0x74: {  	_ =	shalt  }
0x75: {  	_ =	shalt  }
0x76: {  	_ =	shalt  }
0x77: {  	_ =	shalt  }
0x78: {  	_ =	shalt  }
0x79: {  	_ =	shalt  }
0x7a: {  	_ =	shalt  }
0x7b: {  	_ =	shalt  }
0x7c: {  	_ =	shalt  }
0x7d: {  	_ =	shalt  }
0x7e: {  	_ =	shalt  }
0x7f: {  	_ =	shalt  }
0x80: {  	_ =	shalt  }
0x81: {  	_ =	shalt  }
0x82: {  	_ =	shalt  }
0x83: {  	_ =	shalt  }
0x84: {  	_ =	shalt  }
0x85: {  	_ =	shalt  }
0x86: {  	_ =	shalt  }
0x87: {  	_ =	shalt  }
.Lfunc_end0:
.L_simem_size_0:
called_computation_lowered:
.L_overlay_start_0:
0x88: {  	s2 =	sld [smem:$0x3FD9]  }
0x89: {  	s3 =	sld [smem:$0x3FFE];
	_ =	sdelay $0x1  }
0x8a: {  	s1 =	srdreg.scid  }
0x8b: {  	s0 =	sand.u32 $0x1, s1  }
0x8c: {  	s15 =	sshll.u32 s0, $0xA;
	s2 =	sadd.s32 s3, s2  }
0x8d: {  	s2 =	sadd.s32 s2, s15  }
0x8e: {  	[smem:$0x3FC5] =	sst s2  }
0x8f: {  	_ = 	snop  }
0x90: {  	s2 =	sld [smem:$0x3FD0];
	_ =	sdelay $0x2  }
0x91: {  	s4 =	simm.s32 $0xA;
	s5 =	simm.s32 $0x10;
	s16 =	sld [smem:$0x3FC7]  }
0x92: {  	[smem:s5], [sflag:s4] =	dma.local [hbm:s2], $0x1  }
0x93: {  	_ =	swait.eq [sflag:s4], $0x1  }
0x94: {  	[sflag:s4] =	ssyncset.done $0x0  }
0x95: {  	s17 =	sld [smem:$0x10];
	[sflag:s4] =	ssyncadd.s32 $0xFFFFFFFF  }
0x96: {  	s18 =	sld [smem:$0x11];
	(tm) =	ssettm $0x1  }
0x97: {  	s19 =	sld [smem:$0x3FFB];
	_ =	sdelay $0x3  }
0x98: {  	_ =	strace s19  }
0x99: {  	s5 =	sld [smem:$0x3FFC];
	_ =	sdelay $0x3  }
0x9a: {  	_ =	strace s5  }
0x9b: {  	s5 =	sld [smem:$0x3FFD];
	_ =	sdelay $0x3  }
0x9c: {  	_ =	strace s5  }
0x9d: {  	_ =	strace $0x8FFFFFFF  }
0x9e: {  	s20 =	sld [smem:$0x3FDB];
	_ =	sdelay $0x1  }
0x9f: {  	s6 =	simm.s32 $_scs_section_size  }
0xa0: {  	s7 =	simm.s32 $_size__tile_overlayer_lowered;
	s8 =	simm.s32 $_tile_overlayer_lowered  }
0xa1: {  	s23 =	simm.s32 $0x1BFF;
	s22 =	sshll.u32 s8, $0x1;
	s5 =	sadd.s32 s6, s20  }
0xa2: {  	s9 =	simm.s32 $0x0;
	s21 =	sshll.u32 s7, $0x1;
	s7 =	sadd.s32 s22, s5  }
0xa3: {  	[timem:s9], [sflag:s23] =	dma.local [hbm:s7], s21  }
0xa4: {  	_ =	swait.ge [sflag:s23], s21  }
0xa5: {  	s6 =	ssub.s32 $0x0, s21;
	[sflag:s23] =	ssyncset.done $0x0  }
0xa6: {  	[sflag:s23] =	ssyncadd.s32 s6;
	_ =	sdelay $0x1  }
0xa7: {  	s24 =	simm.s32 $0x1B8B  }
0xa8: {  	_ =	swait.ge [sflag:s24], $0x1  }
0xa9: {  	[sflag:s24] =	ssyncset.done $0x0  }
0xaa: {  	s25 =	simm.s32 $0x1B8E;
	[sflag:s24] =	ssyncadd.s32 $0xFFFFFFFF  }
0xab: {  	s26 =	simm.s32 $execute0_lowered;
	[smem:$0x3FD2] =	sst s25  }
0xac: {  	s6 =	sshll.u32 s26, $0x1;
	_ =	strace $0x80000046;
	[dreg:$0x1] =	wrdreg $0xFFFFFFFF  }
0xad: {  	s28 =	simm.s32 $_size_execute0_lowered;
	s5 =	sadd.s32 s5, s6;
	[dreg:$0x0] =	wrdreg $0x0  }
0xae: {  	s6 =	sshll.u32 s28, $0x1;
	[dreg:$0x2] =	wrdreg s5  }
0xaf: {  	[dreg:$0x3] =	wrdreg s6  }
0xb0: {  	[dreg:$0x4] =	wrdreg $0xC0  }
0xb1: {  	_ =	task [dreg:s9], $0x5FFFF  }
0xb2: {  	[dreg:$0x1] =	wrdreg $0xFFFFFFFF  }
0xb3: {  	[dreg:$0x0] =	wrdreg $0x60  }
0xb4: {  	[dreg:$0x2] =	wrdreg s17  }
0xb5: {  	[dreg:$0x3] =	wrdreg s16  }
0xb6: {  	[dreg:$0x4] =	wrdreg s18  }
0xb7: {  	[dreg:$0x5] =	wrdreg $0x9  }
0xb8: {  	_ =	task.clear_ibuf [dreg:s9], $0x6FFFF;
	_ =	strace $0x90000046  }
0xb9: {  	s29 =	simm.s32 $0x9;
	_ =	strace $0x80000048  }
0xba: {  	_ =	swait.ge [sflag:s29], $0x1  }
0xbb: {  	[sflag:s29] =	ssyncadd.s32 $0xFFFFFFFF  }
0xbc: {  	_ =	strace $0x90000048  }
0xbd: {  	_ =	sfence  }
0xbe: {  	s30 =	sld [smem:$0x0];
	_ =	sdelay $0x2  }
0xbf: {  	s31 =	sshll.u32 s1, $0xD;
	s1 =	sshrl.u32 s1, $0x2  }
0xc0: {  	s3 =	sand.u32 $0x4000, s31;
	s1 =	sadd.s32 s1, s30  }
0xc1: {  	s0 =	sor.u32 s3, s0;
	s1 =	sshll.u32 s1, $0x11  }
0xc2: {  	s0 =	sor.u32 s1, s0  }
0xc3: {  	s0 =	sadd.s32 $0x8F2B, s0  }
0xc4: {  	[sflag:s0] =	ssyncadd.remote.s32 $0x1  }
0xc5: {  	_ =	sfence.sel $0xFFFF  }
0xc6: {  	[dreg:$0x0] =	wrdreg $0xFFFFFFFF;
	(pc) =	sbr.abs _section_cstart, $3  }
0xc7: {  	[dreg:$0x1] =	wrdreg $0xFFFFFFFF  }
0xc8: {  	_ =	task.clear_ibuf [dreg:s9], $0x2FFFF;
	_ =	strace $0x9FFFFFFF  }
0xc9: {  	(tm) =	ssettm $0x7FFFFFFF  }
tec
execute0_lowered:
.L_overlay_start_1:
0x0: {  	(tag) =	ssettag $0x1  }
0x1: {  	s1 =	srdreg.scid;
	s0 =	stileid.u32  }
0x2: {  	s3 =	sand.u32 $0x1, s1;
	s16 =	sshll.u32 s0, $0x1  }
0x3: {  	s30 =	rddreg [dreg:$0x0];
	s1 =	sor.u32 s3, s16  }
0x4: {  	s28 =	simm.s32 $0x2;
	s29 =	simm.s32 $0x1400;
	s2 =	smul.u32 $0x138, s1  }
0x5: {  	p0 =	sne.s32 s0, $0x0;
	s0 =	simm.s32 $0x0;
	s20 =	ssub.s32 $0x2, s3  }
0x6: {  	v0 =	vlaneseq.u32;
	s3 =	rddreg [dreg:$0x2];
	s21 =	sshrl.u32 s20, $0x1;
	s4 =	sadd.s32 $0x20, s2  }
0x7: {  	v21 =	vimm.s32 $0x0;
	v22 =	vimm.s32 $0xFFFFFFFF;
	vm11 =	vmmov $0x1;
	s8 =	sadd.s32 $0x10, s2;
	s17 =	sadd.s32 $0x30, s2;
	[dreg:$0x5] =	wrdreg s4  }
0x8: {  	vm3 =	vcmask $0x704;
	vm4 =	vcmask $0xB08;
	vm5 =	vcmask $0xF0C;
	s5 =	sadd.s32 $0x40, s2;
	s6 =	sadd.s32 $0x50, s2;
	[dreg:$0x6] =	wrdreg s17  }
0x9: {  	vm6 =	vcmask $0x1310;
	vm7 =	vcmask $0x1714;
	vm1 =	vcmask $0x1B18;
	s18 =	sadd.s32 $0x70, s2;
	s19 =	sadd.s32 $0x80, s2;
	[dreg:$0x7] =	wrdreg s5  }
0xa: {  	vm2 =	vcmask $0x1F1C;
	vm8 =	vcmask $0x2320;
	vm9 =	vcmask $0x2724;
	s7 =	sadd.s32 $0x90, s2;
	s10 =	sadd.s32 $0xA0, s2;
	[dreg:$0x8] =	wrdreg s6  }
0xb: {  	vm12 =	vcmask $0x2B28;
	vm0 =	vmmov $0xffff;
	v30 =	vimm.s32 $0x0;
	s9 =	sadd.s32 $0xB0, s2;
	s11 =	sadd.s32 $0xC0, s2;
	[dreg:$0x9] =	wrdreg s18  }
0xc: {  	v23 =	vadd.s32 $0x1388, v0;
	v24 =	vadd.s32 $0x1398, v0;
	v25 =	vadd.s32 $0x13A8, v0;
	s12 =	sadd.s32 $0xD0, s2;
	s13 =	sadd.s32 $0xE0, s2;
	[dreg:$0xa] =	wrdreg s7  }
0xd: {  	v26 =	vadd.s32 $0x13B8, v0;
	v27 =	vand.u32 $0x7, v0;
	v28 =	vshrl.u32 v0, $0x3;
	s23 =	sand.u32 $0x78, s2;
	s24 =	sadd.s32 $0x100, s2;
	[dreg:$0xb] =	wrdreg s10  }
0xe: {  	v29 =	vor.u32 $0x8, v0;
	v30 =	vsel vm0, $0xFFFFFFFF, v30;
	v28 =	vmul.u32 $0x8, v28;
	s14 =	sadd.s32 $0xF0, s2;
	s15 =	sadd.s32 $0x110, s2;
	[dreg:$0x4] =	wrdreg s8  }
0xf: {  	v1 =	vadd.s32 s8, v0;
	v4 =	vadd.s32 s5, v0;
	s5 =	sadd.s32 $0x60, s2;
	v10 =	vadd.s32 s10, v0;
	s10 =	simm.s32 $0x0;
	[dreg:$0xc] =	wrdreg s11  }
0x10: {  	v2 =	vadd.s32 s4, v0;
	v3 =	vadd.s32 s17, v0;
	v5 =	vadd.s32 s6, v0;
	s4 =	ssub.s32 s20, s21;
	s22 =	sshll.u32 s8, $0x5;
	[dreg:$0xd] =	wrdreg s12  }
0x11: {  	v7 =	vadd.s32 s18, v0;
	v8 =	vadd.s32 s19, v0;
	v9 =	vadd.s32 s7, v0;
	[dreg:$0xe] =	wrdreg s13;
	s6 =	sand.u32 $0x7F80, s19;
	s20 =	smul.u32 $0x140, s1  }
0x12: {  	v11 =	vadd.s32 s9, v0;
	v12 =	vadd.s32 s11, v0;
	v13 =	vadd.s32 s12, v0;
	s25 =	sand.u32 $0x7F80, s24;
	s21 =	sadd.s32 $0x120, s2;
	s1 =	smul.u32 $0x2800, s1  }
0x13: {  	v14 =	vadd.s32 s13, v0;
	v15 =	vadd.s32 s14, v0;
	v16 =	vadd.s32 s24, v0;
	s12 =	sshll.u32 s9, $0x5;
	s16 =	sshll.u32 s24, $0x5;
	[smem:$0x7FF] =	sst s10  }
0x14: {  	v17 =	vadd.s32 s15, v0;
	v1 =	vand.u32 $0x3F, v1;
	v2 =	vand.u32 $0x3F, v2;
	s6 =	sor.u32 s23, s6;
	s26 =	sor.u32 s23, s25;
	s8 =	sshll.u32 s5, $0x5  }
0x15: {  	v3 =	vand.u32 $0x3F, v3;
	v4 =	vand.u32 $0x3F, v4;
	v5 =	vand.u32 $0x3F, v5;
	s7 =	sadd.s32 s3, s22;
	s22 =	sadd.s32 $0x130, s2;
	[dreg:$0xf] =	wrdreg s6  }
0x16: {  	v6 =	vadd.s32 s5, v0;
	v7 =	vand.u32 $0x3F, v7;
	v8 =	vand.u32 $0x3F, v8;
	s23 =	sadd.s32 $0x140, s2;
	s25 =	sadd.s32 s3, s12;
	[dreg:$0x10] =	wrdreg s26  }
0x17: {  	v9 =	vand.u32 $0x3F, v9;
	v10 =	vand.u32 $0x3F, v10;
	v11 =	vand.u32 $0x3F, v11;
	[dreg:$0x11] =	wrdreg s7;
	s6 =	sadd.s32 s3, s8;
	s13 =	sadd.s32 $0x50, s20  }
0x18: {  	v12 =	vand.u32 $0x3F, v12;
	v13 =	vand.u32 $0x3F, v13;
	v14 =	vand.u32 $0x3F, v14;
	s26 =	sadd.s32 s3, s16;
	s1 =	sadd.s32 s3, s1;
	[dreg:$0x12] =	wrdreg s6  }
0x19: {  	v15 =	vand.u32 $0x3F, v15;
	v16 =	vand.u32 $0x3F, v16;
	v17 =	vand.u32 $0x3F, v17;
	s18 =	sadd.s32 $0xA0, s20;
	s19 =	sadd.s32 $0xF0, s20;
	[dreg:$0x13] =	wrdreg s13  }
0x1a: {  	v18 =	vadd.s32 s21, v0;
	v1 =	vadd.s32 $0x1388, v1;
	v2 =	vadd.s32 $0x1388, v2;
	s31 =	sand.u32 $0x1C0, s20;
	s16 =	simm.s32 $0x6400;
	[dreg:$0x14] =	wrdreg s1  }
0x1b: {  	v3 =	vadd.s32 $0x1388, v3;
	v4 =	vadd.s32 $0x1388, v4;
	v5 =	vadd.s32 $0x1388, v5;
	s7 =	simm.s32 $0x7400;
	s8 =	simm.s32 $0x8400;
	[dreg:$0x16] =	wrdreg s18  }
0x1c: {  	v6 =	vand.u32 $0x3F, v6;
	v7 =	vadd.s32 $0x1388, v7;
	v8 =	vadd.s32 $0x1388, v8;
	s6 =	sshll.u32 s13, $0x5;
	s1 =	sshll.u32 s18, $0x5;
	[dreg:$0x17] =	wrdreg s19  }
0x1d: {  	v9 =	vadd.s32 $0x1388, v9;
	v10 =	vadd.s32 $0x1388, v10;
	v11 =	vadd.s32 $0x1388, v11;
	s2 =	sshll.u32 s19, $0x5;
	s18 =	simm.s32 $0x7C00;
	s19 =	simm.s32 $0x1  }
.Ltmp0:
0x1e: {  	v12 =	vadd.s32 $0x1388, v12;
	v13 =	vadd.s32 $0x1388, v13;
	v14 =	vadd.s32 $0x1388, v14;
	s17 =	sadd.s32 s3, s6;
	s1 =	sadd.s32 s3, s1;
	(pc) =	sbr.rel .LBB2_1-.Ltmp0, $4  }
0x1f: {  	v15 =	vadd.s32 $0x1388, v15;
	v16 =	vadd.s32 $0x1388, v16;
	v17 =	vadd.s32 $0x1388, v17;
	s24 =	sadd.s32 s3, s2;
	s2 =	simm.s32 $0x4400;
	[dreg:$0x15] =	wrdreg s17  }
0x20: {  	v19 =	vadd.s32 s22, v0;
	v20 =	vadd.s32 s23, v0;
	v18 =	vand.u32 $0x3F, v18;
	s3 =	simm.s32 $0x4C00;
	s6 =	simm.s32 $0x5C00;
	[dreg:$0x18] =	wrdreg s1  }
0x21: {  	v6 =	vadd.s32 $0x1388, v6;
	v19 =	vand.u32 $0x3F, v19;
	v20 =	vand.u32 $0x3F, v20;
	[dreg:$0x19] =	wrdreg s24;
	s24 =	smax.u32 s4, $0x1;
	s1 =	simm.s32 $0x3C00  }
0x22: {  	v18 =	vadd.s32 $0x1388, v18;
	v19 =	vadd.s32 $0x1388, v19;
	v20 =	vadd.s32 $0x1388, v20;
	s4 =	simm.s32 $0x5400;
	s17 =	simm.s32 $0x6C00;
	_ =	strace $0x80000047;
	[tilespmem:$0x1FFF0] =	vst v30  }
.LBB2_7:
0x23: {  	s11 =	rddreg [dreg:$0x4]  }
0x24: {  	v30 =	vld [tilespmem:s11+$0x1400];
	_ =	sdelay $0x4  }
0x25: {  	vm1 =	vlt.s32 v30, $0x0  }
0x26: {  	v30 =	vsel vm1, v1, v30  }
0x27: {  	s12 =	rddreg [dreg:$0x5];
	[tilespmem:$0x3B80] =	vst v30  }
0x28: {  	v31 =	vld [tilespmem:s12+$0x1400];
	_ =	sdelay $0x4  }
0x29: {  	vm1 =	vlt.s32 v31, $0x0  }
0x2a: {  	v31 =	vsel vm1, v2, v31  }
0x2b: {  	s13 =	rddreg [dreg:$0x6];
	[tilespmem:$0x3B90] =	vst v31  }
0x2c: {  	v31 =	vld [tilespmem:s13+$0x1400];
	_ =	sdelay $0x4  }
0x2d: {  	vm1 =	vlt.s32 v31, $0x0  }
0x2e: {  	v31 =	vsel vm1, v3, v31  }
0x2f: {  	s12 =	rddreg [dreg:$0x7];
	[tilespmem:$0x3BA0] =	vst v31  }
0x30: {  	v31 =	vld [tilespmem:s12+$0x1400];
	_ =	sdelay $0x4  }
0x31: {  	vm1 =	vlt.s32 v31, $0x0  }
0x32: {  	v32 =	vshll.u32 v30, $0x1;
	v31 =	vsel vm1, v4, v31  }
0x33: {  	v30 =	vand.u32 $0x7, v30;
	s13 =	rddreg [dreg:$0x8];
	[tilespmem:$0x3BB0] =	vst v31;
	v31 =	vand.u32 $0xFFFFFFF0, v32  }
0x34: {  	v56 =	vld [tilespmem:s13+$0x1400];
	v30 =	vor.u32 v30, v31  }
0x35: {  	v31 =	vperm.xlane v30, v27  }
0x36: {  	v57 =	vld [tilespmem:$0x1FFF0]  }
0x37: {  	v30 =	vperm.xlane v30, v29;
	v31 =	vadd.s32 v28, v31;
	_ =	sdelay $0x1  }
0x38: {  	v30 =	vadd.s32 v28, v30;
	vm1 =	vlt.s32 v56, $0x0  }
0x39: {  	v32 =	vsel vm1, v5, v56  }
0x3a: {  	vm0 =	vnez.u8 v57;
	[tilespmem:$0x3BC0] =	vst v32  }
0x3b: {  	[tilespmem:s1], [sflag:$0x1] =	stream.indirect_vreg.gather [hbm4b:s30+s10], $0x80, v31, vm0, $0xb8;
	[tilespmem:$0x8C00] =	vst v63  }
0x3c: {  	_ = 	snop  }
0x3d: {  	[tilespmem:s2], [sflag:$0x1] =	stream.indirect_vreg.gather [hbm4b:s30+s10], $0x80, v30, vm0, $0xb8;
	[tilespmem:$0x8C00] =	vst v63  }
0x3e: {  	v30 =	vld [tilespmem:$0x3B90];
	_ =	sdelay $0x4  }
0x3f: {  	v31 =	vshll.u32 v30, $0x1  }
0x40: {  	v30 =	vand.u32 $0x7, v30;
	v31 =	vand.u32 $0xFFFFFFF0, v31  }
0x41: {  	v30 =	vor.u32 v30, v31  }
0x42: {  	v31 =	vperm.xlane v30, v27;
	_ =	sdelay $0x1  }
0x43: {  	v30 =	vperm.xlane v30, v29;
	v31 =	vadd.s32 v28, v31;
	_ =	sdelay $0x1  }
0x44: {  	v30 =	vadd.s32 v28, v30;
	_ =	sdelay $0x2  }
0x45: {  	[tilespmem:s3], [sflag:$0x1] =	stream.indirect_vreg.gather [hbm4b:s30+s10], $0x80, v31, vm0, $0xb8;
	[tilespmem:$0x8C00] =	vst v63  }
0x46: {  	_ = 	snop  }
0x47: {  	[tilespmem:s4], [sflag:$0x1] =	stream.indirect_vreg.gather [hbm4b:s30+s10], $0x80, v30, vm0, $0xb8;
	[tilespmem:$0x8C00] =	vst v63  }
0x48: {  	v30 =	vld [tilespmem:$0x3BA0];
	_ =	sdelay $0x4  }
0x49: {  	v31 =	vshll.u32 v30, $0x1  }
0x4a: {  	v30 =	vand.u32 $0x7, v30;
	v31 =	vand.u32 $0xFFFFFFF0, v31  }
0x4b: {  	v30 =	vor.u32 v30, v31  }
0x4c: {  	v31 =	vperm.xlane v30, v27;
	_ =	sdelay $0x1  }
0x4d: {  	v30 =	vperm.xlane v30, v29;
	v31 =	vadd.s32 v28, v31;
	_ =	sdelay $0x1  }
0x4e: {  	v30 =	vadd.s32 v28, v30;
	_ =	sdelay $0x2  }
0x4f: {  	[tilespmem:s6], [sflag:$0x1] =	stream.indirect_vreg.gather [hbm4b:s30+s10], $0x80, v31, vm0, $0xb8;
	[tilespmem:$0x8C00] =	vst v63  }
0x50: {  	_ = 	snop  }
0x51: {  	[tilespmem:s16], [sflag:$0x1] =	stream.indirect_vreg.gather [hbm4b:s30+s10], $0x80, v30, vm0, $0xb8;
	[tilespmem:$0x8C00] =	vst v63  }
0x52: {  	v30 =	vld [tilespmem:$0x3BB0];
	_ =	sdelay $0x4  }
0x53: {  	v31 =	vshll.u32 v30, $0x1  }
0x54: {  	v30 =	vand.u32 $0x7, v30;
	v31 =	vand.u32 $0xFFFFFFF0, v31  }
0x55: {  	v30 =	vor.u32 v30, v31  }
0x56: {  	v31 =	vperm.xlane v30, v27;
	_ =	sdelay $0x1  }
0x57: {  	v30 =	vperm.xlane v30, v29;
	v31 =	vadd.s32 v28, v31;
	_ =	sdelay $0x1  }
0x58: {  	v30 =	vadd.s32 v28, v30;
	_ =	sdelay $0x2  }
0x59: {  	[tilespmem:s17], [sflag:$0x1] =	stream.indirect_vreg.gather [hbm4b:s30+s10], $0x80, v31, vm0, $0xb8;
	[tilespmem:$0x8C00] =	vst v63  }
0x5a: {  	_ = 	snop  }
0x5b: {  	[tilespmem:s7], [sflag:$0x1] =	stream.indirect_vreg.gather [hbm4b:s30+s10], $0x80, v30, vm0, $0xb8;
	[tilespmem:$0x8C00] =	vst v63  }
0x5c: {  	v30 =	vld [tilespmem:$0x3BC0];
	_ =	sdelay $0x4  }
0x5d: {  	v31 =	vshll.u32 v30, $0x1  }
0x5e: {  	v30 =	vand.u32 $0x7, v30;
	v31 =	vand.u32 $0xFFFFFFF0, v31  }
0x5f: {  	v30 =	vor.u32 v30, v31  }
0x60: {  	v31 =	vperm.xlane v30, v27;
	_ =	sdelay $0x1  }
0x61: {  	v30 =	vperm.xlane v30, v29;
	v31 =	vadd.s32 v28, v31;
	_ =	sdelay $0x1  }
0x62: {  	v30 =	vadd.s32 v28, v30;
	_ =	sdelay $0x2  }
0x63: {  	[tilespmem:s18], [sflag:$0x1] =	stream.indirect_vreg.gather [hbm4b:s30+s10], $0x80, v31, vm0, $0xb8;
	[tilespmem:$0x8C00] =	vst v63  }
0x64: {  	_ = 	snop  }
0x65: {  	[tilespmem:s8], [sflag:$0x1] =	stream.indirect_vreg.gather [hbm4b:s30+s10], $0x80, v30, vm0, $0xb8;
	[tilespmem:$0x8C00] =	vst v63  }
0x66: {  	_ =	swait.ge [sflag:s19], $0x5000  }
0x67: {  	[sflag:s19] =	ssyncset.done $0x0  }
0x68: {  	s12 =	rddreg [dreg:$0x11];
	[sflag:s19] =	ssyncadd.s32 $0xFFFFB000  }
0x69: {  	[hbm4b:s12+s10] =	stream.linear.scatter [tilespmem:s1], [sflag:$0x2], $0x5000, $0x38;
	[tilespmem:$0x8C00] =	vst v63  }
0x6a: {  	_ =	swait.ge [sflag:s28], $0x5000  }
0x6b: {  	[sflag:s28] =	ssyncset.done $0x0  }
0x6c: {  	[sflag:s28] =	ssyncadd.s32 $0xFFFFB000  }
0x6d: {  	v30 =	vld [tilespmem:s5+$0x1400];
	_ =	sdelay $0x4  }
0x6e: {  	vm1 =	vlt.s32 v30, $0x0  }
0x6f: {  	v30 =	vsel vm1, v6, v30  }
0x70: {  	s13 =	rddreg [dreg:$0x9];
	[tilespmem:$0x3B80] =	vst v30  }
0x71: {  	v31 =	vld [tilespmem:s13+$0x1400];
	_ =	sdelay $0x4  }
0x72: {  	vm1 =	vlt.s32 v31, $0x0  }
0x73: {  	v31 =	vsel vm1, v7, v31  }
0x74: {  	s12 =	rddreg [dreg:$0xf];
	[tilespmem:$0x3B90] =	vst v31  }
0x75: {  	v31 =	vld [tilespmem:s12+$0x1400];
	_ =	sdelay $0x4  }
0x76: {  	vm1 =	vlt.s32 v31, $0x0  }
0x77: {  	v31 =	vsel vm1, v8, v31  }
0x78: {  	s13 =	rddreg [dreg:$0xa];
	[tilespmem:$0x3BA0] =	vst v31  }
0x79: {  	v31 =	vld [tilespmem:s13+$0x1400];
	_ =	sdelay $0x4  }
0x7a: {  	vm1 =	vlt.s32 v31, $0x0  }
0x7b: {  	v58 =	vshll.u32 v30, $0x1;
	v31 =	vsel vm1, v9, v31  }
0x7c: {  	v30 =	vand.u32 $0x7, v30;
	s12 =	rddreg [dreg:$0xb];
	[tilespmem:$0x3BB0] =	vst v31;
	v31 =	vand.u32 $0xFFFFFFF0, v58  }
0x7d: {  	v59 =	vld [tilespmem:s12+$0x1400];
	v30 =	vor.u32 v30, v31  }
0x7e: {  	v31 =	vperm.xlane v30, v27;
	_ =	sdelay $0x1  }
0x7f: {  	v30 =	vperm.xlane v30, v29;
	v31 =	vadd.s32 v28, v31;
	_ =	sdelay $0x1  }
0x80: {  	v30 =	vadd.s32 v28, v30;
	vm1 =	vlt.s32 v59, $0x0  }
0x81: {  	v32 =	vsel vm1, v10, v59  }
0x82: {  	[tilespmem:$0x3BC0] =	vst v32  }
0x83: {  	[tilespmem:s1], [sflag:$0x1] =	stream.indirect_vreg.gather [hbm4b:s30+s10], $0x80, v31, vm0, $0xb8;
	[tilespmem:$0x8C00] =	vst v63  }
0x84: {  	_ = 	snop  }
0x85: {  	[tilespmem:s2], [sflag:$0x1] =	stream.indirect_vreg.gather [hbm4b:s30+s10], $0x80, v30, vm0, $0xb8;
	[tilespmem:$0x8C00] =	vst v63  }
0x86: {  	v30 =	vld [tilespmem:$0x3B90];
	_ =	sdelay $0x4  }
0x87: {  	v31 =	vshll.u32 v30, $0x1  }
0x88: {  	v30 =	vand.u32 $0x7, v30;
	v31 =	vand.u32 $0xFFFFFFF0, v31  }
0x89: {  	v30 =	vor.u32 v30, v31  }
0x8a: {  	v31 =	vperm.xlane v30, v27;
	_ =	sdelay $0x1  }
0x8b: {  	v30 =	vperm.xlane v30, v29;
	v31 =	vadd.s32 v28, v31;
	_ =	sdelay $0x1  }
0x8c: {  	v30 =	vadd.s32 v28, v30;
	_ =	sdelay $0x2  }
0x8d: {  	[tilespmem:s3], [sflag:$0x1] =	stream.indirect_vreg.gather [hbm4b:s30+s10], $0x80, v31, vm0, $0xb8;
	[tilespmem:$0x8C00] =	vst v63  }
0x8e: {  	_ = 	snop  }
0x8f: {  	[tilespmem:s4], [sflag:$0x1] =	stream.indirect_vreg.gather [hbm4b:s30+s10], $0x80, v30, vm0, $0xb8;
	[tilespmem:$0x8C00] =	vst v63  }
0x90: {  	v30 =	vld [tilespmem:$0x3BA0];
	_ =	sdelay $0x4  }
0x91: {  	v31 =	vshll.u32 v30, $0x1  }
0x92: {  	v30 =	vand.u32 $0x7, v30;
	v31 =	vand.u32 $0xFFFFFFF0, v31  }
0x93: {  	v30 =	vor.u32 v30, v31  }
0x94: {  	v31 =	vperm.xlane v30, v27;
	_ =	sdelay $0x1  }
0x95: {  	v30 =	vperm.xlane v30, v29;
	v31 =	vadd.s32 v28, v31;
	_ =	sdelay $0x1  }
0x96: {  	v30 =	vadd.s32 v28, v30;
	_ =	sdelay $0x2  }
0x97: {  	[tilespmem:s6], [sflag:$0x1] =	stream.indirect_vreg.gather [hbm4b:s30+s10], $0x80, v31, vm0, $0xb8;
	[tilespmem:$0x8C00] =	vst v63  }
0x98: {  	_ = 	snop  }
0x99: {  	[tilespmem:s16], [sflag:$0x1] =	stream.indirect_vreg.gather [hbm4b:s30+s10], $0x80, v30, vm0, $0xb8;
	[tilespmem:$0x8C00] =	vst v63  }
0x9a: {  	v30 =	vld [tilespmem:$0x3BB0];
	_ =	sdelay $0x4  }
0x9b: {  	v31 =	vshll.u32 v30, $0x1  }
0x9c: {  	v30 =	vand.u32 $0x7, v30;
	v31 =	vand.u32 $0xFFFFFFF0, v31  }
0x9d: {  	v30 =	vor.u32 v30, v31  }
0x9e: {  	v31 =	vperm.xlane v30, v27;
	_ =	sdelay $0x1  }
0x9f: {  	v30 =	vperm.xlane v30, v29;
	v31 =	vadd.s32 v28, v31;
	_ =	sdelay $0x1  }
0xa0: {  	v30 =	vadd.s32 v28, v30;
	_ =	sdelay $0x2  }
0xa1: {  	[tilespmem:s17], [sflag:$0x1] =	stream.indirect_vreg.gather [hbm4b:s30+s10], $0x80, v31, vm0, $0xb8;
	[tilespmem:$0x8C00] =	vst v63  }
0xa2: {  	_ = 	snop  }
0xa3: {  	[tilespmem:s7], [sflag:$0x1] =	stream.indirect_vreg.gather [hbm4b:s30+s10], $0x80, v30, vm0, $0xb8;
	[tilespmem:$0x8C00] =	vst v63  }
0xa4: {  	v30 =	vld [tilespmem:$0x3BC0];
	_ =	sdelay $0x4  }
0xa5: {  	v31 =	vshll.u32 v30, $0x1  }
0xa6: {  	v30 =	vand.u32 $0x7, v30;
	v31 =	vand.u32 $0xFFFFFFF0, v31  }
0xa7: {  	v30 =	vor.u32 v30, v31  }
0xa8: {  	v31 =	vperm.xlane v30, v27;
	_ =	sdelay $0x1  }
0xa9: {  	v30 =	vperm.xlane v30, v29;
	v31 =	vadd.s32 v28, v31;
	_ =	sdelay $0x1  }
0xaa: {  	v30 =	vadd.s32 v28, v30;
	_ =	sdelay $0x2  }
0xab: {  	[tilespmem:s18], [sflag:$0x1] =	stream.indirect_vreg.gather [hbm4b:s30+s10], $0x80, v31, vm0, $0xb8;
	[tilespmem:$0x8C00] =	vst v63  }
0xac: {  	_ = 	snop  }
0xad: {  	[tilespmem:s8], [sflag:$0x1] =	stream.indirect_vreg.gather [hbm4b:s30+s10], $0x80, v30, vm0, $0xb8;
	[tilespmem:$0x8C00] =	vst v63  }
0xae: {  	_ =	swait.ge [sflag:s19], $0x5000  }
0xaf: {  	[sflag:s19] =	ssyncset.done $0x0  }
0xb0: {  	s13 =	rddreg [dreg:$0x12];
	[sflag:s19] =	ssyncadd.s32 $0xFFFFB000  }
0xb1: {  	[hbm4b:s13+s10] =	stream.linear.scatter [tilespmem:s1], [sflag:$0x2], $0x5000, $0x38;
	[tilespmem:$0x8C00] =	vst v63  }
0xb2: {  	_ =	swait.ge [sflag:s28], $0x5000  }
0xb3: {  	[sflag:s28] =	ssyncset.done $0x0  }
0xb4: {  	[sflag:s28] =	ssyncadd.s32 $0xFFFFB000  }
0xb5: {  	v30 =	vld [tilespmem:s9+$0x1400];
	_ =	sdelay $0x4  }
0xb6: {  	vm1 =	vlt.s32 v30, $0x0  }
0xb7: {  	v30 =	vsel vm1, v11, v30  }
0xb8: {  	s12 =	rddreg [dreg:$0xc];
	[tilespmem:$0x3B80] =	vst v30  }
0xb9: {  	v31 =	vld [tilespmem:s12+$0x1400];
	_ =	sdelay $0x4  }
0xba: {  	vm1 =	vlt.s32 v31, $0x0  }
0xbb: {  	v31 =	vsel vm1, v12, v31  }
0xbc: {  	s13 =	rddreg [dreg:$0xd];
	[tilespmem:$0x3B90] =	vst v31  }
0xbd: {  	v31 =	vld [tilespmem:s13+$0x1400];
	_ =	sdelay $0x4  }
0xbe: {  	vm1 =	vlt.s32 v31, $0x0  }
0xbf: {  	v31 =	vsel vm1, v13, v31  }
0xc0: {  	s12 =	rddreg [dreg:$0xe];
	[tilespmem:$0x3BA0] =	vst v31  }
0xc1: {  	v31 =	vld [tilespmem:s12+$0x1400];
	_ =	sdelay $0x4  }
0xc2: {  	vm1 =	vlt.s32 v31, $0x0  }
0xc3: {  	v60 =	vshll.u32 v30, $0x1;
	v31 =	vsel vm1, v14, v31  }
0xc4: {  	v30 =	vand.u32 $0x7, v30;
	[tilespmem:$0x3BB0] =	vst v31;
	v31 =	vand.u32 $0xFFFFFFF0, v60  }
0xc5: {  	v61 =	vld [tilespmem:s14+$0x1400];
	v30 =	vor.u32 v30, v31  }
0xc6: {  	v31 =	vperm.xlane v30, v27;
	_ =	sdelay $0x1  }
0xc7: {  	v30 =	vperm.xlane v30, v29;
	v31 =	vadd.s32 v28, v31;
	_ =	sdelay $0x1  }
0xc8: {  	v30 =	vadd.s32 v28, v30;
	vm1 =	vlt.s32 v61, $0x0  }
0xc9: {  	v32 =	vsel vm1, v15, v61  }
0xca: {  	[tilespmem:$0x3BC0] =	vst v32  }
0xcb: {  	[tilespmem:s1], [sflag:$0x1] =	stream.indirect_vreg.gather [hbm4b:s30+s10], $0x80, v31, vm0, $0xb8;
	[tilespmem:$0x8C00] =	vst v63  }
0xcc: {  	_ = 	snop  }
0xcd: {  	[tilespmem:s2], [sflag:$0x1] =	stream.indirect_vreg.gather [hbm4b:s30+s10], $0x80, v30, vm0, $0xb8;
	[tilespmem:$0x8C00] =	vst v63  }
0xce: {  	v30 =	vld [tilespmem:$0x3B90];
	_ =	sdelay $0x4  }
0xcf: {  	v31 =	vshll.u32 v30, $0x1  }
0xd0: {  	v30 =	vand.u32 $0x7, v30;
	v31 =	vand.u32 $0xFFFFFFF0, v31  }
0xd1: {  	v30 =	vor.u32 v30, v31  }
0xd2: {  	v31 =	vperm.xlane v30, v27;
	_ =	sdelay $0x1  }
0xd3: {  	v30 =	vperm.xlane v30, v29;
	v31 =	vadd.s32 v28, v31;
	_ =	sdelay $0x1  }
0xd4: {  	v30 =	vadd.s32 v28, v30;
	_ =	sdelay $0x2  }
0xd5: {  	[tilespmem:s3], [sflag:$0x1] =	stream.indirect_vreg.gather [hbm4b:s30+s10], $0x80, v31, vm0, $0xb8;
	[tilespmem:$0x8C00] =	vst v63  }
0xd6: {  	_ = 	snop  }
0xd7: {  	[tilespmem:s4], [sflag:$0x1] =	stream.indirect_vreg.gather [hbm4b:s30+s10], $0x80, v30, vm0, $0xb8;
	[tilespmem:$0x8C00] =	vst v63  }
0xd8: {  	v30 =	vld [tilespmem:$0x3BA0];
	_ =	sdelay $0x4  }
0xd9: {  	v31 =	vshll.u32 v30, $0x1  }
0xda: {  	v30 =	vand.u32 $0x7, v30;
	v31 =	vand.u32 $0xFFFFFFF0, v31  }
0xdb: {  	v30 =	vor.u32 v30, v31  }
0xdc: {  	v31 =	vperm.xlane v30, v27;
	_ =	sdelay $0x1  }
0xdd: {  	v30 =	vperm.xlane v30, v29;
	v31 =	vadd.s32 v28, v31;
	_ =	sdelay $0x1  }
0xde: {  	v30 =	vadd.s32 v28, v30;
	_ =	sdelay $0x2  }
0xdf: {  	[tilespmem:s6], [sflag:$0x1] =	stream.indirect_vreg.gather [hbm4b:s30+s10], $0x80, v31, vm0, $0xb8;
	[tilespmem:$0x8C00] =	vst v63  }
0xe0: {  	_ = 	snop  }
0xe1: {  	[tilespmem:s16], [sflag:$0x1] =	stream.indirect_vreg.gather [hbm4b:s30+s10], $0x80, v30, vm0, $0xb8;
	[tilespmem:$0x8C00] =	vst v63  }
0xe2: {  	v30 =	vld [tilespmem:$0x3BB0];
	_ =	sdelay $0x4  }
0xe3: {  	v31 =	vshll.u32 v30, $0x1  }
0xe4: {  	v30 =	vand.u32 $0x7, v30;
	v31 =	vand.u32 $0xFFFFFFF0, v31  }
0xe5: {  	v30 =	vor.u32 v30, v31  }
0xe6: {  	v31 =	vperm.xlane v30, v27;
	_ =	sdelay $0x1  }
0xe7: {  	v30 =	vperm.xlane v30, v29;
	v31 =	vadd.s32 v28, v31;
	_ =	sdelay $0x1  }
0xe8: {  	v30 =	vadd.s32 v28, v30;
	_ =	sdelay $0x2  }
0xe9: {  	[tilespmem:s17], [sflag:$0x1] =	stream.indirect_vreg.gather [hbm4b:s30+s10], $0x80, v31, vm0, $0xb8;
	[tilespmem:$0x8C00] =	vst v63  }
0xea: {  	_ = 	snop  }
0xeb: {  	[tilespmem:s7], [sflag:$0x1] =	stream.indirect_vreg.gather [hbm4b:s30+s10], $0x80, v30, vm0, $0xb8;
	[tilespmem:$0x8C00] =	vst v63  }
0xec: {  	v30 =	vld [tilespmem:$0x3BC0];
	_ =	sdelay $0x4  }
0xed: {  	v31 =	vshll.u32 v30, $0x1  }
0xee: {  	v30 =	vand.u32 $0x7, v30;
	v31 =	vand.u32 $0xFFFFFFF0, v31  }
0xef: {  	v30 =	vor.u32 v30, v31  }
0xf0: {  	v31 =	vperm.xlane v30, v27;
	_ =	sdelay $0x1  }
0xf1: {  	v30 =	vperm.xlane v30, v29;
	v31 =	vadd.s32 v28, v31;
	_ =	sdelay $0x1  }
0xf2: {  	v30 =	vadd.s32 v28, v30;
	_ =	sdelay $0x2  }
0xf3: {  	[tilespmem:s18], [sflag:$0x1] =	stream.indirect_vreg.gather [hbm4b:s30+s10], $0x80, v31, vm0, $0xb8;
	[tilespmem:$0x8C00] =	vst v63  }
0xf4: {  	_ = 	snop  }
0xf5: {  	[tilespmem:s8], [sflag:$0x1] =	stream.indirect_vreg.gather [hbm4b:s30+s10], $0x80, v30, vm0, $0xb8;
	[tilespmem:$0x8C00] =	vst v63  }
0xf6: {  	_ =	swait.ge [sflag:s19], $0x5000  }
0xf7: {  	[sflag:s19] =	ssyncset.done $0x0  }
0xf8: {  	[sflag:s19] =	ssyncadd.s32 $0xFFFFB000  }
0xf9: {  	[hbm4b:s25+s10] =	stream.linear.scatter [tilespmem:s1], [sflag:$0x2], $0x5000, $0x38;
	[tilespmem:$0x8C00] =	vst v63  }
0xfa: {  	_ =	swait.ge [sflag:s28], $0x5000  }
0xfb: {  	[sflag:s28] =	ssyncset.done $0x0  }
0xfc: {  	s13 =	rddreg [dreg:$0x10];
	[sflag:s28] =	ssyncadd.s32 $0xFFFFB000  }
0xfd: {  	v30 =	vld [tilespmem:s13+$0x1400];
	_ =	sdelay $0x4  }
0xfe: {  	vm1 =	vlt.s32 v30, $0x0  }
0xff: {  	v30 =	vsel vm1, v16, v30  }
0x100: {  	[tilespmem:$0x3B80] =	vst v30  }
0x101: {  	v31 =	vld [tilespmem:s15+$0x1400];
	_ =	sdelay $0x4  }
0x102: {  	vm1 =	vlt.s32 v31, $0x0  }
0x103: {  	v31 =	vsel vm1, v17, v31  }
0x104: {  	[tilespmem:$0x3B90] =	vst v31  }
0x105: {  	v31 =	vld [tilespmem:s21+$0x1400];
	_ =	sdelay $0x4  }
0x106: {  	vm1 =	vlt.s32 v31, $0x0  }
0x107: {  	v31 =	vsel vm1, v18, v31  }
0x108: {  	[tilespmem:$0x3BA0] =	vst v31  }
0x109: {  	v31 =	vld [tilespmem:s22+$0x1400];
	_ =	sdelay $0x4  }
0x10a: {  	vm1 =	vlt.s32 v31, $0x0  }
0x10b: {  	v62 =	vshll.u32 v30, $0x1;
	v31 =	vsel vm1, v19, v31  }
0x10c: {  	v30 =	vand.u32 $0x7, v30;
	[tilespmem:$0x3BB0] =	vst v31;
	v31 =	vand.u32 $0xFFFFFFF0, v62  }
0x10d: {  	v63 =	vld [tilespmem:s23+$0x1400];
	v30 =	vor.u32 v30, v31  }
0x10e: {  	v31 =	vperm.xlane v30, v27;
	_ =	sdelay $0x1  }
0x10f: {  	v30 =	vperm.xlane v30, v29;
	v31 =	vadd.s32 v28, v31;
	_ =	sdelay $0x1  }
0x110: {  	v30 =	vadd.s32 v28, v30;
	vm1 =	vlt.s32 v63, $0x0  }
0x111: {  	v32 =	vsel vm1, v20, v63  }
0x112: {  	[tilespmem:$0x3BC0] =	vst v32  }
0x113: {  	[tilespmem:s1], [sflag:$0x1] =	stream.indirect_vreg.gather [hbm4b:s30+s10], $0x80, v31, vm0, $0xb8;
	[tilespmem:$0x8C00] =	vst v63  }
0x114: {  	_ = 	snop  }
0x115: {  	[tilespmem:s2], [sflag:$0x1] =	stream.indirect_vreg.gather [hbm4b:s30+s10], $0x80, v30, vm0, $0xb8;
	[tilespmem:$0x8C00] =	vst v63  }
0x116: {  	v30 =	vld [tilespmem:$0x3B90];
	_ =	sdelay $0x4  }
0x117: {  	v31 =	vshll.u32 v30, $0x1  }
0x118: {  	v30 =	vand.u32 $0x7, v30;
	v31 =	vand.u32 $0xFFFFFFF0, v31  }
0x119: {  	v30 =	vor.u32 v30, v31  }
0x11a: {  	v31 =	vperm.xlane v30, v27;
	_ =	sdelay $0x1  }
0x11b: {  	v30 =	vperm.xlane v30, v29;
	v31 =	vadd.s32 v28, v31;
	_ =	sdelay $0x1  }
0x11c: {  	v30 =	vadd.s32 v28, v30;
	_ =	sdelay $0x2  }
0x11d: {  	[tilespmem:s3], [sflag:$0x1] =	stream.indirect_vreg.gather [hbm4b:s30+s10], $0x80, v31, vm0, $0xb8;
	[tilespmem:$0x8C00] =	vst v63  }
0x11e: {  	_ = 	snop  }
0x11f: {  	[tilespmem:s4], [sflag:$0x1] =	stream.indirect_vreg.gather [hbm4b:s30+s10], $0x80, v30, vm0, $0xb8;
	[tilespmem:$0x8C00] =	vst v63  }
0x120: {  	v30 =	vld [tilespmem:$0x3BA0];
	_ =	sdelay $0x4  }
0x121: {  	v31 =	vshll.u32 v30, $0x1  }
0x122: {  	v30 =	vand.u32 $0x7, v30;
	v31 =	vand.u32 $0xFFFFFFF0, v31  }
0x123: {  	v30 =	vor.u32 v30, v31  }
0x124: {  	v31 =	vperm.xlane v30, v27;
	_ =	sdelay $0x1  }
0x125: {  	v30 =	vperm.xlane v30, v29;
	v31 =	vadd.s32 v28, v31;
	_ =	sdelay $0x1  }
0x126: {  	v30 =	vadd.s32 v28, v30;
	_ =	sdelay $0x2  }
0x127: {  	[tilespmem:s6], [sflag:$0x1] =	stream.indirect_vreg.gather [hbm4b:s30+s10], $0x80, v31, vm0, $0xb8;
	[tilespmem:$0x8C00] =	vst v63  }
0x128: {  	_ = 	snop  }
0x129: {  	[tilespmem:s16], [sflag:$0x1] =	stream.indirect_vreg.gather [hbm4b:s30+s10], $0x80, v30, vm0, $0xb8;
	[tilespmem:$0x8C00] =	vst v63  }
0x12a: {  	v30 =	vld [tilespmem:$0x3BB0];
	_ =	sdelay $0x4  }
0x12b: {  	v31 =	vshll.u32 v30, $0x1  }
0x12c: {  	v30 =	vand.u32 $0x7, v30;
	v31 =	vand.u32 $0xFFFFFFF0, v31  }
0x12d: {  	v30 =	vor.u32 v30, v31  }
0x12e: {  	v31 =	vperm.xlane v30, v27;
	_ =	sdelay $0x1  }
0x12f: {  	v30 =	vperm.xlane v30, v29;
	v31 =	vadd.s32 v28, v31;
	_ =	sdelay $0x1  }
0x130: {  	v30 =	vadd.s32 v28, v30;
	_ =	sdelay $0x2  }
0x131: {  	[tilespmem:s17], [sflag:$0x1] =	stream.indirect_vreg.gather [hbm4b:s30+s10], $0x80, v31, vm0, $0xb8;
	[tilespmem:$0x8C00] =	vst v63  }
0x132: {  	_ = 	snop  }
0x133: {  	[tilespmem:s7], [sflag:$0x1] =	stream.indirect_vreg.gather [hbm4b:s30+s10], $0x80, v30, vm0, $0xb8;
	[tilespmem:$0x8C00] =	vst v63  }
0x134: {  	v30 =	vld [tilespmem:$0x3BC0];
	_ =	sdelay $0x4  }
0x135: {  	v31 =	vshll.u32 v30, $0x1  }
0x136: {  	v30 =	vand.u32 $0x7, v30;
	v31 =	vand.u32 $0xFFFFFFF0, v31  }
0x137: {  	v30 =	vor.u32 v30, v31  }
0x138: {  	v31 =	vperm.xlane v30, v27;
	_ =	sdelay $0x1  }
0x139: {  	v30 =	vperm.xlane v30, v29;
	v31 =	vadd.s32 v28, v31;
	_ =	sdelay $0x1  }
0x13a: {  	v30 =	vadd.s32 v28, v30;
	_ =	sdelay $0x2  }
0x13b: {  	[tilespmem:s18], [sflag:$0x1] =	stream.indirect_vreg.gather [hbm4b:s30+s10], $0x80, v31, vm0, $0xb8;
	[tilespmem:$0x8C00] =	vst v63  }
0x13c: {  	_ = 	snop  }
0x13d: {  	[tilespmem:s8], [sflag:$0x1] =	stream.indirect_vreg.gather [hbm4b:s30+s10], $0x80, v30, vm0, $0xb8;
	[tilespmem:$0x8C00] =	vst v63  }
0x13e: {  	_ =	swait.ge [sflag:s19], $0x5000  }
0x13f: {  	[sflag:s19] =	ssyncset.done $0x0  }
0x140: {  	[sflag:s19] =	ssyncadd.s32 $0xFFFFB000  }
0x141: {  	[hbm4b:s26+s10] =	stream.linear.scatter [tilespmem:s1], [sflag:$0x2], $0x4800, $0x38;
	[tilespmem:$0x8C00] =	vst v63  }
0x142: {  	_ =	swait.ge [sflag:s28], $0x4800  }
0x143: {  	vm1 =	vmmov vm2;
	[sflag:s28] =	ssyncset.done $0x0  }
0x144: {  	vm2 =	vmmov vm8;
	vm8 =	vmmov vm9;
	vm9 =	vmmov vm10;
	[sflag:s28] =	ssyncadd.s32 $0xFFFFB800  }
.LBB2_8:
0x145: {  	s0 =	sadd.s32 $0x1, s0  }
0x146: {  	p1 =	sne.s32 s0, s24  }
.Ltmp1:
0x147: {  	_ = 	snop;
	(pc) =	sbr.rel @!p1 .LBB2_9-.Ltmp1, $1  }
0x148: {  	_ =	sdelay $0x3  }
.LBB2_1:
0x149: {  	[tilespmem:$0x1380] =	vst v21;
	s11 =	rddreg [dreg:$0x1]  }
0x14a: {  	[tilespmem:s10], [sflag:$0x2] =	stream.linear.gather [hbm4b:s11+s10], $0x1388, $0x38;
	[tilespmem:$0x8C00] =	vst v63  }
0x14b: {  	_ =	swait.ge [sflag:s28], $0x1388  }
0x14c: {  	[sflag:s28] =	ssyncset.done $0x0  }
0x14d: {  	s11 =	simm.s32 $0x1420;
	[sflag:s28] =	ssyncadd.s32 $0xFFFFEC78  }
0x14e: {  	[tilespmem:s11+$0xFFFFFFE0] =	vst v22  }
0x14f: {  	vm10 =	vmmov vm9;
	[tilespmem:s11+$0x10] =	vst v22  }
0x150: {  	vm9 =	vmmov vm8;
	vm8 =	vmmov vm2;
	vm0 =	vmmov vm1;
	s12 =	simm.s32 $0x0;
	[tilespmem:s11+$0x0] =	vst v22  }
.LBB2_2:
0x151: {  	s12 =	sadd.s32 $0x4, s12  }
0x152: {  	[tilespmem:s11+$0xFFFFFFF0] =	vst v22;
	s11 =	sadd.s32 $0x40, s11;
	p1 =	slt.u32 s12, $0x26C  }
.Ltmp2:
0x153: {  	[tilespmem:s11+$0xFFFFFFE0] =	vst v22;
	(pc) =	sbr.rel @p1 .LBB2_2-.Ltmp2, $3  }
0x154: {  	_ =	sdelay $0x1  }
0x155: {  	[tilespmem:s11+$0x10] =	vst v22  }
0x156: {  	[tilespmem:s11+$0x0] =	vst v22  }
0x157: {  	[tilespmem:s11+$0xFFFFFFF0] =	vst v22;
	s11 =	simm.s32 $0x0  }
0x158: {  	v31 =	vor.u32 s11, v0  }
0x159: {  	vm1 =	vlt.u32 v31, $0x1388  }
0x15a: {  	v32 =	vimm.s32 $0x0;
	vm2 =	vmand vm1, vm11  }
0x15b: {  	v32 =	vsel vm2, $0xFFFFFFFF, v32  }
0x15c: {  	[tilespmem:$0x1FFB0] =	vst v32  }
0x15d: {  	v60 =	vld [tilespmem:$0x1FFB0]  }
0x15e: {  	[tilespmem:$0x3B00] =	vst v22  }
0x15f: {  	[tilespmem:$0x3B10] =	vst v22  }
0x160: {  	v30 =	vld [tilespmem:s11+$0x0]  }
0x161: {  	v58 =	vimm.s32 $0x0;
	vm2 =	vmand vm1, vm4  }
0x162: {  	v32 =	vsel vm2, $0xFFFFFFFF, v58;
	vm14 =	vnez.u8 v60  }
0x163: {  	vm13 =	vmand vm1, vm3;
	[tilespmem:$0x1FFC0] =	vst v32  }
0x164: {  	v61 =	vld [tilespmem:$0x1FFC0];
	_ =	sdelay $0x3  }
0x165: {  	v59 =	vimm.s32 $0x0;
	vm2 =	vmand vm1, vm6;
	[tilespmem:v30+s29+$0x0] =	vst.idx.msk vm14, v31  }
0x166: {  	v32 =	vsel vm2, $0xFFFFFFFF, v59;
	[tilespmem:v30+s29+$0x0] =	vst.idx.msk vm13, v31;
	vm13 =	vnez.u8 v61  }
0x167: {  	vm15 =	vmand vm1, vm5;
	[tilespmem:$0x1FFD0] =	vst v32  }
0x168: {  	v62 =	vld [tilespmem:$0x1FFD0];
	_ =	sdelay $0x3  }
0x169: {  	[tilespmem:v30+s29+$0x0] =	vst.idx.msk vm13, v31  }
0x16a: {  	[tilespmem:v30+s29+$0x0] =	vst.idx.msk vm15, v31;
	vm15 =	vnez.u8 v62  }
0x16b: {  	vm2 =	vmand vm1, vm7  }
0x16c: {  	vm0 =	vmand vm1, vm0;
	_ =	sdelay $0x3  }
0x16d: {  	[tilespmem:v30+s29+$0x0] =	vst.idx.msk vm15, v31  }
0x16e: {  	vm13 =	vcmask $0x3330;
	[tilespmem:v30+s29+$0x0] =	vst.idx.msk vm2, v31  }
0x16f: {  	v63 =	vimm.s32 $0x0;
	[tilespmem:v30+s29+$0x0] =	vst.idx.msk vm0, v31;
	vm0 =	vmand vm1, vm13  }
0x170: {  	v32 =	vsel vm0, $0xFFFFFFFF, v63  }
0x171: {  	vm8 =	vmand vm1, vm8;
	[tilespmem:$0x1FFE0] =	vst v32  }
0x172: {  	v32 =	vld [tilespmem:$0x1FFE0]  }
0x173: {  	vm9 =	vmand vm1, vm9  }
0x174: {  	vm10 =	vmand vm1, vm10  }
0x175: {  	vm12 =	vmand vm1, vm12;
	vm15 =	vcmask $0x2F2C  }
0x176: {  	vm2 =	vmand vm1, vm15;
	vm0 =	vcmask $0x3734  }
0x177: {  	[tilespmem:v30+s29+$0x0] =	vst.idx.msk vm8, v31;
	vm8 =	vmand vm1, vm0;
	vm0 =	vnez.u8 v32;
	_ =	sdelay $0x1  }
0x178: {  	[tilespmem:v30+s29+$0x0] =	vst.idx.msk vm9, v31  }
0x179: {  	[tilespmem:v30+s29+$0x0] =	vst.idx.msk vm10, v31  }
0x17a: {  	vm14 =	vcmask $0x3B38;
	[tilespmem:v30+s29+$0x0] =	vst.idx.msk vm12, v31  }
0x17b: {  	vm9 =	vmand vm1, vm14;
	[tilespmem:v30+s29+$0x0] =	vst.idx.msk vm2, v31  }
0x17c: {  	[tilespmem:v30+s29+$0x0] =	vst.idx.msk vm0, v31;
	vm0 =	vcmask $0x3F3C  }
0x17d: {  	vm1 =	vmand vm1, vm0;
	_ =	sdelay $0x2  }
0x17e: {  	[tilespmem:v30+s29+$0x0] =	vst.idx.msk vm8, v31  }
0x17f: {  	s12 =	simm.s32 $0x10;
	vm0 =	vmmov vm13;
	[tilespmem:v30+s29+$0x0] =	vst.idx.msk vm9, v31  }
.LBB2_4:
0x180: {  	p1 =	sne.s32 s12, $0x1380  }
0x181: {  	[tilespmem:v30+s29+$0x0] =	vst.idx.msk vm1, v31;
	s11 =	sadd.s32 $0x10, s11;
	s13 =	smov.u32 s12;
	s12 =	sadd.s32 $0x10, s12  }
0x182: {  	v30 =	vld [tilespmem:s11+$0x0];
	v31 =	vor.u32 s13, v0  }
0x183: {  	vm1 =	vlt.u32 v31, $0x1388  }
0x184: {  	vm2 =	vmand vm1, vm11  }
0x185: {  	vm8 =	vmmov vm3;
	vm3 =	vmand vm1, vm3  }
0x186: {  	vm9 =	vmmov vm4;
	vm4 =	vmand vm1, vm4  }
0x187: {  	vm10 =	vmand vm1, vm5  }
0x188: {  	vm13 =	vmmov vm11;
	vm11 =	vmand vm1, vm6  }
0x189: {  	vm12 =	vmand vm1, vm7  }
0x18a: {  	[tilespmem:v30+s29+$0x0] =	vst.idx.msk vm2, v31;
	vm2 =	vcmask $0x1B18  }
0x18b: {  	vm2 =	vmand vm1, vm2  }
0x18c: {  	[tilespmem:v30+s29+$0x0] =	vst.idx.msk vm3, v31;
	vm3 =	vcmask $0x1F1C  }
0x18d: {  	vm3 =	vmand vm1, vm3  }
0x18e: {  	[tilespmem:v30+s29+$0x0] =	vst.idx.msk vm4, v31;
	vm4 =	vcmask $0x2320  }
0x18f: {  	vm4 =	vmand vm1, vm4  }
0x190: {  	[tilespmem:v30+s29+$0x0] =	vst.idx.msk vm10, v31;
	vm10 =	vcmask $0x2724  }
0x191: {  	vm10 =	vmand vm1, vm10  }
0x192: {  	[tilespmem:v30+s29+$0x0] =	vst.idx.msk vm11, v31;
	vm11 =	vcmask $0x2B28  }
0x193: {  	vm11 =	vmand vm1, vm11  }
0x194: {  	[tilespmem:v30+s29+$0x0] =	vst.idx.msk vm12, v31;
	vm12 =	vmand vm1, vm15  }
0x195: {  	[tilespmem:v30+s29+$0x0] =	vst.idx.msk vm2, v31;
	vm2 =	vmand vm1, vm0  }
0x196: {  	[tilespmem:v30+s29+$0x0] =	vst.idx.msk vm3, v31;
	vm3 =	vcmask $0x3734  }
0x197: {  	vm3 =	vmand vm1, vm3  }
0x198: {  	[tilespmem:v30+s29+$0x0] =	vst.idx.msk vm4, v31;
	vm4 =	vmand vm1, vm14  }
0x199: {  	[tilespmem:v30+s29+$0x0] =	vst.idx.msk vm10, v31;
	vm10 =	vcmask $0x3F3C  }
0x19a: {  	vm1 =	vmand vm1, vm10  }
.Ltmp3:
0x19b: {  	[tilespmem:v30+s29+$0x0] =	vst.idx.msk vm11, v31;
	vm11 =	vmmov vm13;
	(pc) =	sbr.rel @p1 .LBB2_4-.Ltmp3, $4  }
0x19c: {  	[tilespmem:v30+s29+$0x0] =	vst.idx.msk vm12, v31  }
0x19d: {  	[tilespmem:v30+s29+$0x0] =	vst.idx.msk vm2, v31  }
0x19e: {  	[tilespmem:v30+s29+$0x0] =	vst.idx.msk vm3, v31;
	vm3 =	vmmov vm8  }
0x19f: {  	[tilespmem:v30+s29+$0x0] =	vst.idx.msk vm4, v31;
	vm4 =	vmmov vm9  }
0x1a0: {  	_ = 	snop  }
.Ltmp4:
0x1a1: {  	_ = 	snop;
	(pc) =	sbr.rel @p0 .LBB2_7-.Ltmp4, $3  }
0x1a2: {  	_ =	sdelay $0x1  }
0x1a3: {  	vm12 =	vcmask $0x2B28;
	vm10 =	vcmask $0x2724  }
0x1a4: {  	vm9 =	vcmask $0x2320;
	vm8 =	vcmask $0x1F1C;
	vm2 =	vcmask $0x1B18;
	[tilespmem:v30+s29+$0x0] =	vst.idx.msk vm1, v31  }
0x1a5: {  	v30 =	vld [tilespmem:s20+$0x1400];
	_ =	sdelay $0x4  }
0x1a6: {  	vm1 =	vgt.s32 v30, $0xFFFFFFFF  }
0x1a7: {  	v30 =	vsel vm1, v30, v23  }
0x1a8: {  	[tilespmem:$0x3B80] =	vst v30  }
0x1a9: {  	v31 =	vld [tilespmem:s20+$0x1410];
	_ =	sdelay $0x4  }
0x1aa: {  	vm1 =	vgt.s32 v31, $0xFFFFFFFF  }
0x1ab: {  	v31 =	vsel vm1, v31, v24  }
0x1ac: {  	[tilespmem:$0x3B90] =	vst v31  }
0x1ad: {  	v31 =	vld [tilespmem:s20+$0x1420];
	_ =	sdelay $0x4  }
0x1ae: {  	vm1 =	vgt.s32 v31, $0xFFFFFFFF  }
0x1af: {  	v31 =	vsel vm1, v31, v25  }
0x1b0: {  	[tilespmem:$0x3BA0] =	vst v31  }
0x1b1: {  	v31 =	vld [tilespmem:s20+$0x1430];
	_ =	sdelay $0x4  }
0x1b2: {  	vm1 =	vgt.s32 v31, $0xFFFFFFFF  }
0x1b3: {  	v32 =	vshll.u32 v30, $0x1;
	v31 =	vsel vm1, v31, v26  }
0x1b4: {  	v30 =	vand.u32 $0x7, v30;
	[tilespmem:$0x3BB0] =	vst v31;
	v31 =	vand.u32 $0xFFFFFFF0, v32  }
0x1b5: {  	v56 =	vld [tilespmem:s20+$0x1440];
	v30 =	vor.u32 v30, v31  }
0x1b6: {  	v31 =	vperm.xlane v30, v27  }
0x1b7: {  	v57 =	vld [tilespmem:$0x1FFF0]  }
0x1b8: {  	v30 =	vperm.xlane v30, v29;
	v31 =	vadd.s32 v28, v31;
	_ =	sdelay $0x1  }
0x1b9: {  	v30 =	vadd.s32 v28, v30;
	vm1 =	vgt.s32 v56, $0xFFFFFFFF  }
0x1ba: {  	v32 =	vsel vm1, v56, v23  }
0x1bb: {  	vm0 =	vnez.u8 v57;
	[tilespmem:$0x3BC0] =	vst v32  }
0x1bc: {  	[tilespmem:s1], [sflag:$0x1] =	stream.indirect_vreg.gather [hbm4b:s30+s10], $0x80, v31, vm0, $0xb8;
	[tilespmem:$0x8C00] =	vst v63  }
0x1bd: {  	_ = 	snop  }
0x1be: {  	[tilespmem:s2], [sflag:$0x1] =	stream.indirect_vreg.gather [hbm4b:s30+s10], $0x80, v30, vm0, $0xb8;
	[tilespmem:$0x8C00] =	vst v63  }
0x1bf: {  	v30 =	vld [tilespmem:$0x3B90];
	_ =	sdelay $0x4  }
0x1c0: {  	v31 =	vshll.u32 v30, $0x1  }
0x1c1: {  	v30 =	vand.u32 $0x7, v30;
	v31 =	vand.u32 $0xFFFFFFF0, v31  }
0x1c2: {  	v30 =	vor.u32 v30, v31  }
0x1c3: {  	v31 =	vperm.xlane v30, v27;
	_ =	sdelay $0x1  }
0x1c4: {  	v30 =	vperm.xlane v30, v29;
	v31 =	vadd.s32 v28, v31;
	_ =	sdelay $0x1  }
0x1c5: {  	v30 =	vadd.s32 v28, v30;
	_ =	sdelay $0x2  }
0x1c6: {  	[tilespmem:s3], [sflag:$0x1] =	stream.indirect_vreg.gather [hbm4b:s30+s10], $0x80, v31, vm0, $0xb8;
	[tilespmem:$0x8C00] =	vst v63  }
0x1c7: {  	_ = 	snop  }
0x1c8: {  	[tilespmem:s4], [sflag:$0x1] =	stream.indirect_vreg.gather [hbm4b:s30+s10], $0x80, v30, vm0, $0xb8;
	[tilespmem:$0x8C00] =	vst v63  }
0x1c9: {  	v30 =	vld [tilespmem:$0x3BA0];
	_ =	sdelay $0x4  }
0x1ca: {  	v31 =	vshll.u32 v30, $0x1  }
0x1cb: {  	v30 =	vand.u32 $0x7, v30;
	v31 =	vand.u32 $0xFFFFFFF0, v31  }
0x1cc: {  	v30 =	vor.u32 v30, v31  }
0x1cd: {  	v31 =	vperm.xlane v30, v27;
	_ =	sdelay $0x1  }
0x1ce: {  	v30 =	vperm.xlane v30, v29;
	v31 =	vadd.s32 v28, v31;
	_ =	sdelay $0x1  }
0x1cf: {  	v30 =	vadd.s32 v28, v30;
	_ =	sdelay $0x2  }
0x1d0: {  	[tilespmem:s6], [sflag:$0x1] =	stream.indirect_vreg.gather [hbm4b:s30+s10], $0x80, v31, vm0, $0xb8;
	[tilespmem:$0x8C00] =	vst v63  }
0x1d1: {  	_ = 	snop  }
0x1d2: {  	[tilespmem:s16], [sflag:$0x1] =	stream.indirect_vreg.gather [hbm4b:s30+s10], $0x80, v30, vm0, $0xb8;
	[tilespmem:$0x8C00] =	vst v63  }
0x1d3: {  	v30 =	vld [tilespmem:$0x3BB0];
	_ =	sdelay $0x4  }
0x1d4: {  	v31 =	vshll.u32 v30, $0x1  }
0x1d5: {  	v30 =	vand.u32 $0x7, v30;
	v31 =	vand.u32 $0xFFFFFFF0, v31  }
0x1d6: {  	v30 =	vor.u32 v30, v31  }
0x1d7: {  	v31 =	vperm.xlane v30, v27;
	_ =	sdelay $0x1  }
0x1d8: {  	v30 =	vperm.xlane v30, v29;
	v31 =	vadd.s32 v28, v31;
	_ =	sdelay $0x1  }
0x1d9: {  	v30 =	vadd.s32 v28, v30;
	_ =	sdelay $0x2  }
0x1da: {  	[tilespmem:s17], [sflag:$0x1] =	stream.indirect_vreg.gather [hbm4b:s30+s10], $0x80, v31, vm0, $0xb8;
	[tilespmem:$0x8C00] =	vst v63  }
0x1db: {  	_ = 	snop  }
0x1dc: {  	[tilespmem:s7], [sflag:$0x1] =	stream.indirect_vreg.gather [hbm4b:s30+s10], $0x80, v30, vm0, $0xb8;
	[tilespmem:$0x8C00] =	vst v63  }
0x1dd: {  	v30 =	vld [tilespmem:$0x3BC0];
	_ =	sdelay $0x4  }
0x1de: {  	v31 =	vshll.u32 v30, $0x1  }
0x1df: {  	v30 =	vand.u32 $0x7, v30;
	v31 =	vand.u32 $0xFFFFFFF0, v31  }
0x1e0: {  	v30 =	vor.u32 v30, v31  }
0x1e1: {  	v31 =	vperm.xlane v30, v27;
	_ =	sdelay $0x1  }
0x1e2: {  	v30 =	vperm.xlane v30, v29;
	v31 =	vadd.s32 v28, v31;
	_ =	sdelay $0x1  }
0x1e3: {  	v30 =	vadd.s32 v28, v30;
	_ =	sdelay $0x2  }
0x1e4: {  	[tilespmem:s18], [sflag:$0x1] =	stream.indirect_vreg.gather [hbm4b:s30+s10], $0x80, v31, vm0, $0xb8;
	[tilespmem:$0x8C00] =	vst v63  }
0x1e5: {  	_ = 	snop  }
0x1e6: {  	[tilespmem:s8], [sflag:$0x1] =	stream.indirect_vreg.gather [hbm4b:s30+s10], $0x80, v30, vm0, $0xb8;
	[tilespmem:$0x8C00] =	vst v63  }
0x1e7: {  	_ =	swait.ge [sflag:s19], $0x5000  }
0x1e8: {  	[sflag:s19] =	ssyncset.done $0x0  }
0x1e9: {  	s11 =	rddreg [dreg:$0x14];
	[sflag:s19] =	ssyncadd.s32 $0xFFFFB000  }
0x1ea: {  	[hbm4b:s11+s10] =	stream.linear.scatter [tilespmem:s1], [sflag:$0x2], $0x5000, $0x38;
	[tilespmem:$0x8C00] =	vst v63  }
0x1eb: {  	_ =	swait.ge [sflag:s28], $0x5000  }
0x1ec: {  	[sflag:s28] =	ssyncset.done $0x0  }
0x1ed: {  	s12 =	rddreg [dreg:$0x13];
	[sflag:s28] =	ssyncadd.s32 $0xFFFFB000  }
0x1ee: {  	v30 =	vld [tilespmem:s12+$0x1400];
	_ =	sdelay $0x4  }
0x1ef: {  	vm1 =	vgt.s32 v30, $0xFFFFFFFF  }
0x1f0: {  	v30 =	vsel vm1, v30, v24  }
0x1f1: {  	[tilespmem:$0x3B80] =	vst v30  }
0x1f2: {  	v31 =	vld [tilespmem:s20+$0x1460];
	_ =	sdelay $0x4  }
0x1f3: {  	vm1 =	vgt.s32 v31, $0xFFFFFFFF  }
0x1f4: {  	v31 =	vsel vm1, v31, v25  }
0x1f5: {  	[tilespmem:$0x3B90] =	vst v31  }
0x1f6: {  	v31 =	vld [tilespmem:s20+$0x1470];
	_ =	sdelay $0x4  }
0x1f7: {  	vm1 =	vgt.s32 v31, $0xFFFFFFFF  }
0x1f8: {  	v31 =	vsel vm1, v31, v26  }
0x1f9: {  	[tilespmem:$0x3BA0] =	vst v31  }
0x1fa: {  	v31 =	vld [tilespmem:s31+$0x1480];
	_ =	sdelay $0x4  }
0x1fb: {  	vm1 =	vgt.s32 v31, $0xFFFFFFFF  }
0x1fc: {  	v58 =	vshll.u32 v30, $0x1;
	v31 =	vsel vm1, v31, v23  }
0x1fd: {  	v30 =	vand.u32 $0x7, v30;
	[tilespmem:$0x3BB0] =	vst v31;
	v31 =	vand.u32 $0xFFFFFFF0, v58  }
0x1fe: {  	v59 =	vld [tilespmem:s20+$0x1490];
	v30 =	vor.u32 v30, v31  }
0x1ff: {  	v31 =	vperm.xlane v30, v27;
	_ =	sdelay $0x1  }
0x200: {  	v30 =	vperm.xlane v30, v29;
	v31 =	vadd.s32 v28, v31;
	_ =	sdelay $0x1  }
0x201: {  	v30 =	vadd.s32 v28, v30;
	vm1 =	vgt.s32 v59, $0xFFFFFFFF  }
0x202: {  	v32 =	vsel vm1, v59, v24  }
0x203: {  	[tilespmem:$0x3BC0] =	vst v32  }
0x204: {  	[tilespmem:s1], [sflag:$0x1] =	stream.indirect_vreg.gather [hbm4b:s30+s10], $0x80, v31, vm0, $0xb8;
	[tilespmem:$0x8C00] =	vst v63  }
0x205: {  	_ = 	snop  }
0x206: {  	[tilespmem:s2], [sflag:$0x1] =	stream.indirect_vreg.gather [hbm4b:s30+s10], $0x80, v30, vm0, $0xb8;
	[tilespmem:$0x8C00] =	vst v63  }
0x207: {  	v30 =	vld [tilespmem:$0x3B90];
	_ =	sdelay $0x4  }
0x208: {  	v31 =	vshll.u32 v30, $0x1  }
0x209: {  	v30 =	vand.u32 $0x7, v30;
	v31 =	vand.u32 $0xFFFFFFF0, v31  }
0x20a: {  	v30 =	vor.u32 v30, v31  }
0x20b: {  	v31 =	vperm.xlane v30, v27;
	_ =	sdelay $0x1  }
0x20c: {  	v30 =	vperm.xlane v30, v29;
	v31 =	vadd.s32 v28, v31;
	_ =	sdelay $0x1  }
0x20d: {  	v30 =	vadd.s32 v28, v30;
	_ =	sdelay $0x2  }
0x20e: {  	[tilespmem:s3], [sflag:$0x1] =	stream.indirect_vreg.gather [hbm4b:s30+s10], $0x80, v31, vm0, $0xb8;
	[tilespmem:$0x8C00] =	vst v63  }
0x20f: {  	_ = 	snop  }
0x210: {  	[tilespmem:s4], [sflag:$0x1] =	stream.indirect_vreg.gather [hbm4b:s30+s10], $0x80, v30, vm0, $0xb8;
	[tilespmem:$0x8C00] =	vst v63  }
0x211: {  	v30 =	vld [tilespmem:$0x3BA0];
	_ =	sdelay $0x4  }
0x212: {  	v31 =	vshll.u32 v30, $0x1  }
0x213: {  	v30 =	vand.u32 $0x7, v30;
	v31 =	vand.u32 $0xFFFFFFF0, v31  }
0x214: {  	v30 =	vor.u32 v30, v31  }
0x215: {  	v31 =	vperm.xlane v30, v27;
	_ =	sdelay $0x1  }
0x216: {  	v30 =	vperm.xlane v30, v29;
	v31 =	vadd.s32 v28, v31;
	_ =	sdelay $0x1  }
0x217: {  	v30 =	vadd.s32 v28, v30;
	_ =	sdelay $0x2  }
0x218: {  	[tilespmem:s6], [sflag:$0x1] =	stream.indirect_vreg.gather [hbm4b:s30+s10], $0x80, v31, vm0, $0xb8;
	[tilespmem:$0x8C00] =	vst v63  }
0x219: {  	_ = 	snop  }
0x21a: {  	[tilespmem:s16], [sflag:$0x1] =	stream.indirect_vreg.gather [hbm4b:s30+s10], $0x80, v30, vm0, $0xb8;
	[tilespmem:$0x8C00] =	vst v63  }
0x21b: {  	v30 =	vld [tilespmem:$0x3BB0];
	_ =	sdelay $0x4  }
0x21c: {  	v31 =	vshll.u32 v30, $0x1  }
0x21d: {  	v30 =	vand.u32 $0x7, v30;
	v31 =	vand.u32 $0xFFFFFFF0, v31  }
0x21e: {  	v30 =	vor.u32 v30, v31  }
0x21f: {  	v31 =	vperm.xlane v30, v27;
	_ =	sdelay $0x1  }
0x220: {  	v30 =	vperm.xlane v30, v29;
	v31 =	vadd.s32 v28, v31;
	_ =	sdelay $0x1  }
0x221: {  	v30 =	vadd.s32 v28, v30;
	_ =	sdelay $0x2  }
0x222: {  	[tilespmem:s17], [sflag:$0x1] =	stream.indirect_vreg.gather [hbm4b:s30+s10], $0x80, v31, vm0, $0xb8;
	[tilespmem:$0x8C00] =	vst v63  }
0x223: {  	_ = 	snop  }
0x224: {  	[tilespmem:s7], [sflag:$0x1] =	stream.indirect_vreg.gather [hbm4b:s30+s10], $0x80, v30, vm0, $0xb8;
	[tilespmem:$0x8C00] =	vst v63  }
0x225: {  	v30 =	vld [tilespmem:$0x3BC0];
	_ =	sdelay $0x4  }
0x226: {  	v31 =	vshll.u32 v30, $0x1  }
0x227: {  	v30 =	vand.u32 $0x7, v30;
	v31 =	vand.u32 $0xFFFFFFF0, v31  }
0x228: {  	v30 =	vor.u32 v30, v31  }
0x229: {  	v31 =	vperm.xlane v30, v27;
	_ =	sdelay $0x1  }
0x22a: {  	v30 =	vperm.xlane v30, v29;
	v31 =	vadd.s32 v28, v31;
	_ =	sdelay $0x1  }
0x22b: {  	v30 =	vadd.s32 v28, v30;
	_ =	sdelay $0x2  }
0x22c: {  	[tilespmem:s18], [sflag:$0x1] =	stream.indirect_vreg.gather [hbm4b:s30+s10], $0x80, v31, vm0, $0xb8;
	[tilespmem:$0x8C00] =	vst v63  }
0x22d: {  	_ = 	snop  }
0x22e: {  	[tilespmem:s8], [sflag:$0x1] =	stream.indirect_vreg.gather [hbm4b:s30+s10], $0x80, v30, vm0, $0xb8;
	[tilespmem:$0x8C00] =	vst v63  }
0x22f: {  	_ =	swait.ge [sflag:s19], $0x5000  }
0x230: {  	[sflag:s19] =	ssyncset.done $0x0  }
0x231: {  	s13 =	rddreg [dreg:$0x15];
	[sflag:s19] =	ssyncadd.s32 $0xFFFFB000  }
0x232: {  	[hbm4b:s13+s10] =	stream.linear.scatter [tilespmem:s1], [sflag:$0x2], $0x5000, $0x38;
	[tilespmem:$0x8C00] =	vst v63  }
0x233: {  	_ =	swait.ge [sflag:s28], $0x5000  }
0x234: {  	[sflag:s28] =	ssyncset.done $0x0  }
0x235: {  	s12 =	rddreg [dreg:$0x16];
	[sflag:s28] =	ssyncadd.s32 $0xFFFFB000  }
0x236: {  	v30 =	vld [tilespmem:s12+$0x1400];
	_ =	sdelay $0x4  }
0x237: {  	vm1 =	vgt.s32 v30, $0xFFFFFFFF  }
0x238: {  	v30 =	vsel vm1, v30, v25  }
0x239: {  	[tilespmem:$0x3B80] =	vst v30  }
0x23a: {  	v31 =	vld [tilespmem:s20+$0x14B0];
	_ =	sdelay $0x4  }
0x23b: {  	vm1 =	vgt.s32 v31, $0xFFFFFFFF  }
0x23c: {  	v31 =	vsel vm1, v31, v26  }
0x23d: {  	[tilespmem:$0x3B90] =	vst v31  }
0x23e: {  	v31 =	vld [tilespmem:s20+$0x14C0];
	_ =	sdelay $0x4  }
0x23f: {  	vm1 =	vgt.s32 v31, $0xFFFFFFFF  }
0x240: {  	v31 =	vsel vm1, v31, v23  }
0x241: {  	[tilespmem:$0x3BA0] =	vst v31  }
0x242: {  	v31 =	vld [tilespmem:s20+$0x14D0];
	_ =	sdelay $0x4  }
0x243: {  	vm1 =	vgt.s32 v31, $0xFFFFFFFF  }
0x244: {  	v60 =	vshll.u32 v30, $0x1;
	v31 =	vsel vm1, v31, v24  }
0x245: {  	v30 =	vand.u32 $0x7, v30;
	[tilespmem:$0x3BB0] =	vst v31;
	v31 =	vand.u32 $0xFFFFFFF0, v60  }
0x246: {  	v61 =	vld [tilespmem:s20+$0x14E0];
	v30 =	vor.u32 v30, v31  }
0x247: {  	v31 =	vperm.xlane v30, v27;
	_ =	sdelay $0x1  }
0x248: {  	v30 =	vperm.xlane v30, v29;
	v31 =	vadd.s32 v28, v31;
	_ =	sdelay $0x1  }
0x249: {  	v30 =	vadd.s32 v28, v30;
	vm1 =	vgt.s32 v61, $0xFFFFFFFF  }
0x24a: {  	v32 =	vsel vm1, v61, v25  }
0x24b: {  	[tilespmem:$0x3BC0] =	vst v32  }
0x24c: {  	[tilespmem:s1], [sflag:$0x1] =	stream.indirect_vreg.gather [hbm4b:s30+s10], $0x80, v31, vm0, $0xb8;
	[tilespmem:$0x8C00] =	vst v63  }
0x24d: {  	_ = 	snop  }
0x24e: {  	[tilespmem:s2], [sflag:$0x1] =	stream.indirect_vreg.gather [hbm4b:s30+s10], $0x80, v30, vm0, $0xb8;
	[tilespmem:$0x8C00] =	vst v63  }
0x24f: {  	v30 =	vld [tilespmem:$0x3B90];
	_ =	sdelay $0x4  }
0x250: {  	v31 =	vshll.u32 v30, $0x1  }
0x251: {  	v30 =	vand.u32 $0x7, v30;
	v31 =	vand.u32 $0xFFFFFFF0, v31  }
0x252: {  	v30 =	vor.u32 v30, v31  }
0x253: {  	v31 =	vperm.xlane v30, v27;
	_ =	sdelay $0x1  }
0x254: {  	v30 =	vperm.xlane v30, v29;
	v31 =	vadd.s32 v28, v31;
	_ =	sdelay $0x1  }
0x255: {  	v30 =	vadd.s32 v28, v30;
	_ =	sdelay $0x2  }
0x256: {  	[tilespmem:s3], [sflag:$0x1] =	stream.indirect_vreg.gather [hbm4b:s30+s10], $0x80, v31, vm0, $0xb8;
	[tilespmem:$0x8C00] =	vst v63  }
0x257: {  	_ = 	snop  }
0x258: {  	[tilespmem:s4], [sflag:$0x1] =	stream.indirect_vreg.gather [hbm4b:s30+s10], $0x80, v30, vm0, $0xb8;
	[tilespmem:$0x8C00] =	vst v63  }
0x259: {  	v30 =	vld [tilespmem:$0x3BA0];
	_ =	sdelay $0x4  }
0x25a: {  	v31 =	vshll.u32 v30, $0x1  }
0x25b: {  	v30 =	vand.u32 $0x7, v30;
	v31 =	vand.u32 $0xFFFFFFF0, v31  }
0x25c: {  	v30 =	vor.u32 v30, v31  }
0x25d: {  	v31 =	vperm.xlane v30, v27;
	_ =	sdelay $0x1  }
0x25e: {  	v30 =	vperm.xlane v30, v29;
	v31 =	vadd.s32 v28, v31;
	_ =	sdelay $0x1  }
0x25f: {  	v30 =	vadd.s32 v28, v30;
	_ =	sdelay $0x2  }
0x260: {  	[tilespmem:s6], [sflag:$0x1] =	stream.indirect_vreg.gather [hbm4b:s30+s10], $0x80, v31, vm0, $0xb8;
	[tilespmem:$0x8C00] =	vst v63  }
0x261: {  	_ = 	snop  }
0x262: {  	[tilespmem:s16], [sflag:$0x1] =	stream.indirect_vreg.gather [hbm4b:s30+s10], $0x80, v30, vm0, $0xb8;
	[tilespmem:$0x8C00] =	vst v63  }
0x263: {  	v30 =	vld [tilespmem:$0x3BB0];
	_ =	sdelay $0x4  }
0x264: {  	v31 =	vshll.u32 v30, $0x1  }
0x265: {  	v30 =	vand.u32 $0x7, v30;
	v31 =	vand.u32 $0xFFFFFFF0, v31  }
0x266: {  	v30 =	vor.u32 v30, v31  }
0x267: {  	v31 =	vperm.xlane v30, v27;
	_ =	sdelay $0x1  }
0x268: {  	v30 =	vperm.xlane v30, v29;
	v31 =	vadd.s32 v28, v31;
	_ =	sdelay $0x1  }
0x269: {  	v30 =	vadd.s32 v28, v30;
	_ =	sdelay $0x2  }
0x26a: {  	[tilespmem:s17], [sflag:$0x1] =	stream.indirect_vreg.gather [hbm4b:s30+s10], $0x80, v31, vm0, $0xb8;
	[tilespmem:$0x8C00] =	vst v63  }
0x26b: {  	_ = 	snop  }
0x26c: {  	[tilespmem:s7], [sflag:$0x1] =	stream.indirect_vreg.gather [hbm4b:s30+s10], $0x80, v30, vm0, $0xb8;
	[tilespmem:$0x8C00] =	vst v63  }
0x26d: {  	v30 =	vld [tilespmem:$0x3BC0];
	_ =	sdelay $0x4  }
0x26e: {  	v31 =	vshll.u32 v30, $0x1  }
0x26f: {  	v30 =	vand.u32 $0x7, v30;
	v31 =	vand.u32 $0xFFFFFFF0, v31  }
0x270: {  	v30 =	vor.u32 v30, v31  }
0x271: {  	v31 =	vperm.xlane v30, v27;
	_ =	sdelay $0x1  }
0x272: {  	v30 =	vperm.xlane v30, v29;
	v31 =	vadd.s32 v28, v31;
	_ =	sdelay $0x1  }
0x273: {  	v30 =	vadd.s32 v28, v30;
	_ =	sdelay $0x2  }
0x274: {  	[tilespmem:s18], [sflag:$0x1] =	stream.indirect_vreg.gather [hbm4b:s30+s10], $0x80, v31, vm0, $0xb8;
	[tilespmem:$0x8C00] =	vst v63  }
0x275: {  	_ = 	snop  }
0x276: {  	[tilespmem:s8], [sflag:$0x1] =	stream.indirect_vreg.gather [hbm4b:s30+s10], $0x80, v30, vm0, $0xb8;
	[tilespmem:$0x8C00] =	vst v63  }
0x277: {  	_ =	swait.ge [sflag:s19], $0x5000  }
0x278: {  	[sflag:s19] =	ssyncset.done $0x0  }
0x279: {  	s13 =	rddreg [dreg:$0x18];
	[sflag:s19] =	ssyncadd.s32 $0xFFFFB000  }
0x27a: {  	[hbm4b:s13+s10] =	stream.linear.scatter [tilespmem:s1], [sflag:$0x2], $0x5000, $0x38;
	[tilespmem:$0x8C00] =	vst v63  }
0x27b: {  	_ =	swait.ge [sflag:s28], $0x5000  }
0x27c: {  	[sflag:s28] =	ssyncset.done $0x0  }
0x27d: {  	s12 =	rddreg [dreg:$0x17];
	[sflag:s28] =	ssyncadd.s32 $0xFFFFB000  }
0x27e: {  	v30 =	vld [tilespmem:s12+$0x1400];
	_ =	sdelay $0x4  }
0x27f: {  	vm1 =	vgt.s32 v30, $0xFFFFFFFF  }
0x280: {  	v30 =	vsel vm1, v30, v26  }
0x281: {  	[tilespmem:$0x3B80] =	vst v30  }
0x282: {  	v31 =	vld [tilespmem:s31+$0x1500];
	_ =	sdelay $0x4  }
0x283: {  	vm1 =	vgt.s32 v31, $0xFFFFFFFF  }
0x284: {  	v31 =	vsel vm1, v31, v23  }
0x285: {  	[tilespmem:$0x3B90] =	vst v31  }
0x286: {  	v31 =	vld [tilespmem:s20+$0x1510];
	_ =	sdelay $0x4  }
0x287: {  	vm1 =	vgt.s32 v31, $0xFFFFFFFF  }
0x288: {  	v31 =	vsel vm1, v31, v24  }
0x289: {  	[tilespmem:$0x3BA0] =	vst v31  }
0x28a: {  	v31 =	vld [tilespmem:s20+$0x1520];
	_ =	sdelay $0x4  }
0x28b: {  	vm1 =	vgt.s32 v31, $0xFFFFFFFF  }
0x28c: {  	v62 =	vshll.u32 v30, $0x1;
	v31 =	vsel vm1, v31, v25  }
0x28d: {  	v30 =	vand.u32 $0x7, v30;
	[tilespmem:$0x3BB0] =	vst v31;
	v31 =	vand.u32 $0xFFFFFFF0, v62  }
0x28e: {  	v63 =	vld [tilespmem:s20+$0x1530];
	v30 =	vor.u32 v30, v31  }
0x28f: {  	v31 =	vperm.xlane v30, v27;
	_ =	sdelay $0x1  }
0x290: {  	v30 =	vperm.xlane v30, v29;
	v31 =	vadd.s32 v28, v31;
	_ =	sdelay $0x1  }
0x291: {  	v30 =	vadd.s32 v28, v30;
	vm1 =	vgt.s32 v63, $0xFFFFFFFF  }
0x292: {  	v32 =	vsel vm1, v63, v26  }
0x293: {  	[tilespmem:$0x3BC0] =	vst v32  }
0x294: {  	[tilespmem:s1], [sflag:$0x1] =	stream.indirect_vreg.gather [hbm4b:s30+s10], $0x80, v31, vm0, $0xb8;
	[tilespmem:$0x8C00] =	vst v63  }
0x295: {  	_ = 	snop  }
0x296: {  	[tilespmem:s2], [sflag:$0x1] =	stream.indirect_vreg.gather [hbm4b:s30+s10], $0x80, v30, vm0, $0xb8;
	[tilespmem:$0x8C00] =	vst v63  }
0x297: {  	v30 =	vld [tilespmem:$0x3B90];
	_ =	sdelay $0x4  }
0x298: {  	v31 =	vshll.u32 v30, $0x1  }
0x299: {  	v30 =	vand.u32 $0x7, v30;
	v31 =	vand.u32 $0xFFFFFFF0, v31  }
0x29a: {  	v30 =	vor.u32 v30, v31  }
0x29b: {  	v31 =	vperm.xlane v30, v27;
	_ =	sdelay $0x1  }
0x29c: {  	v30 =	vperm.xlane v30, v29;
	v31 =	vadd.s32 v28, v31;
	_ =	sdelay $0x1  }
0x29d: {  	v30 =	vadd.s32 v28, v30;
	_ =	sdelay $0x2  }
0x29e: {  	[tilespmem:s3], [sflag:$0x1] =	stream.indirect_vreg.gather [hbm4b:s30+s10], $0x80, v31, vm0, $0xb8;
	[tilespmem:$0x8C00] =	vst v63  }
0x29f: {  	_ = 	snop  }
0x2a0: {  	[tilespmem:s4], [sflag:$0x1] =	stream.indirect_vreg.gather [hbm4b:s30+s10], $0x80, v30, vm0, $0xb8;
	[tilespmem:$0x8C00] =	vst v63  }
0x2a1: {  	v30 =	vld [tilespmem:$0x3BA0];
	_ =	sdelay $0x4  }
0x2a2: {  	v31 =	vshll.u32 v30, $0x1  }
0x2a3: {  	v30 =	vand.u32 $0x7, v30;
	v31 =	vand.u32 $0xFFFFFFF0, v31  }
0x2a4: {  	v30 =	vor.u32 v30, v31  }
0x2a5: {  	v31 =	vperm.xlane v30, v27;
	_ =	sdelay $0x1  }
0x2a6: {  	v30 =	vperm.xlane v30, v29;
	v31 =	vadd.s32 v28, v31;
	_ =	sdelay $0x1  }
0x2a7: {  	v30 =	vadd.s32 v28, v30;
	_ =	sdelay $0x2  }
0x2a8: {  	[tilespmem:s6], [sflag:$0x1] =	stream.indirect_vreg.gather [hbm4b:s30+s10], $0x80, v31, vm0, $0xb8;
	[tilespmem:$0x8C00] =	vst v63  }
0x2a9: {  	_ = 	snop  }
0x2aa: {  	[tilespmem:s16], [sflag:$0x1] =	stream.indirect_vreg.gather [hbm4b:s30+s10], $0x80, v30, vm0, $0xb8;
	[tilespmem:$0x8C00] =	vst v63  }
0x2ab: {  	v30 =	vld [tilespmem:$0x3BB0];
	_ =	sdelay $0x4  }
0x2ac: {  	v31 =	vshll.u32 v30, $0x1  }
0x2ad: {  	v30 =	vand.u32 $0x7, v30;
	v31 =	vand.u32 $0xFFFFFFF0, v31  }
0x2ae: {  	v30 =	vor.u32 v30, v31  }
0x2af: {  	v31 =	vperm.xlane v30, v27;
	_ =	sdelay $0x1  }
0x2b0: {  	v30 =	vperm.xlane v30, v29;
	v31 =	vadd.s32 v28, v31;
	_ =	sdelay $0x1  }
0x2b1: {  	v30 =	vadd.s32 v28, v30;
	_ =	sdelay $0x2  }
0x2b2: {  	[tilespmem:s17], [sflag:$0x1] =	stream.indirect_vreg.gather [hbm4b:s30+s10], $0x80, v31, vm0, $0xb8;
	[tilespmem:$0x8C00] =	vst v63  }
0x2b3: {  	_ = 	snop  }
0x2b4: {  	[tilespmem:s7], [sflag:$0x1] =	stream.indirect_vreg.gather [hbm4b:s30+s10], $0x80, v30, vm0, $0xb8;
	[tilespmem:$0x8C00] =	vst v63  }
0x2b5: {  	v30 =	vld [tilespmem:$0x3BC0];
	_ =	sdelay $0x4  }
0x2b6: {  	v31 =	vshll.u32 v30, $0x1  }
0x2b7: {  	v30 =	vand.u32 $0x7, v30;
	v31 =	vand.u32 $0xFFFFFFF0, v31  }
0x2b8: {  	v30 =	vor.u32 v30, v31  }
0x2b9: {  	v31 =	vperm.xlane v30, v27;
	_ =	sdelay $0x1  }
0x2ba: {  	v30 =	vperm.xlane v30, v29;
	v31 =	vadd.s32 v28, v31;
	_ =	sdelay $0x1  }
0x2bb: {  	v30 =	vadd.s32 v28, v30;
	_ =	sdelay $0x2  }
0x2bc: {  	[tilespmem:s18], [sflag:$0x1] =	stream.indirect_vreg.gather [hbm4b:s30+s10], $0x80, v31, vm0, $0xb8;
	[tilespmem:$0x8C00] =	vst v63  }
0x2bd: {  	_ = 	snop  }
0x2be: {  	[tilespmem:s8], [sflag:$0x1] =	stream.indirect_vreg.gather [hbm4b:s30+s10], $0x80, v30, vm0, $0xb8;
	[tilespmem:$0x8C00] =	vst v63  }
0x2bf: {  	_ =	swait.ge [sflag:s19], $0x5000  }
0x2c0: {  	[sflag:s19] =	ssyncset.done $0x0  }
.Ltmp5:
0x2c1: {  	s13 =	rddreg [dreg:$0x19];
	[sflag:s19] =	ssyncadd.s32 $0xFFFFB000;
	(pc) =	sbr.rel .LBB2_8-.Ltmp5, $4  }
0x2c2: {  	[hbm4b:s13+s10] =	stream.linear.scatter [tilespmem:s1], [sflag:$0x2], $0x5000, $0x38;
	[tilespmem:$0x8C00] =	vst v63  }
0x2c3: {  	_ =	swait.ge [sflag:s28], $0x5000  }
0x2c4: {  	vm1 =	vmmov vm2;
	[sflag:s28] =	ssyncset.done $0x0  }
0x2c5: {  	vm2 =	vmmov vm8;
	vm8 =	vmmov vm9;
	vm9 =	vmmov vm10;
	[sflag:s28] =	ssyncadd.s32 $0xFFFFB000  }
.LBB2_9:
0x2c6: {  	_ =	sfence.sel $0x180000  }
0x2c7: {  	[bflag:$0x0] =	sbarrier.arrive $0xFFFF  }
0x2c8: {  	_ =	strace $0x90000047  }
0x2c9: {  	[bflag:$0x2] =	sbarrier.arrive $0xFFFF  }
0x2ca: {  	s0 =	rddreg [dreg:$0x3]  }
0x2cb: {  	s0 =	sadd.s32 @!p0 $0x100000, s0  }
0x2cc: {  	[sflag:s0] =	ssyncadd.tile.s32 @!p0 $0x1;
	_ =	shalt  }
.Lfunc_end2:
_tile_overlayer_lowered:
.L_overlay_start_2:
0x2cd: {  	(tag) =	ssettag $0x2  }
0x2ce: {  	s0 =	rddreg [dreg:$0x0];
	s2 =	stileid.u32  }
0x2cf: {  	s1 =	rddreg [dreg:$0x1];
	p0 =	sne.s32 s2, $0x0  }
0x2d0: {  	s3 =	rddreg [dreg:$0x2];
	[bflag:$0x3] =	sbarrier.arrive $0xFFFF;
	s2 =	simm.s32 @!p0 $0x1C02  }
0x2d1: {  	[timem:s3], [sflag:s2] =	dma.local @!p0 [hbm:s0], s1  }
0x2d2: {  	s0 =	simm.s32 @!p0 $0x2  }
0x2d3: {  	_ =	swait.ge @!p0 [sflag:s0], s1  }
0x2d4: {  	s1 =	ssub.s32 @!p0 $0x0, s1;
	[sflag:s0] =	ssyncset.done @!p0 $0x0  }
0x2d5: {  	[sflag:s0] =	ssyncadd.s32 @!p0 s1  }
0x2d6: {  	[bflag:$0x3] =	sbarrier.arrive $0xFFFF  }
0x2d7: {  	_ =	shalt  }

</sc_bundles>
